<compile_context>
chip_gen: v7x
topology: tpu7x:2x2x1
jax: 0.10.2.dev20260603
libtpu: 0.0.44.dev20260713+nightly
codegen_flags: <defaults>
</compile_context>

<pallas_src>
import functools

import jax
import jax.numpy as jnp
from jax import lax
from jax.experimental import pallas as pl
from jax.experimental.pallas import tpu as pltpu
from jax.experimental.pallas import tpu_sc as plsc

N_NODES = 10000
N_EDGES = 320000
D = 128

_NC = 2
_NS = 16
_NW = _NC * _NS
_WIN = 128
_NWIN = 80
_EPT = _WIN * _NWIN
_EPAD = _NW * _EPT
_NPAD = 10240
_RPT = _NPAD // _NS
_SHIFT = 14


@functools.partial(
    pl.kernel,
    out_type=(
        jax.ShapeDtypeStruct((_NC, _NPAD, D), jnp.bfloat16),
        jax.ShapeDtypeStruct((_NW, _NPAD), jnp.float32),
    ),
    mesh=plsc.VectorSubcoreMesh(core_axis_name="c", subcore_axis_name="s"),
    compiler_params=pltpu.CompilerParams(needs_layout_passes=False,
                                         use_tc_tiling_on_sc=False),
    scratch_types=[
        pltpu.VMEM((_EPT,), jnp.int32),
    ] + [pltpu.VMEM((_WIN,), jnp.int32) for _ in range(4)]
      + [pltpu.VMEM((_WIN,), jnp.int32) for _ in range(4)]
      + [pltpu.VMEM((_WIN, D), jnp.bfloat16) for _ in range(4)]
      + [
        pltpu.VMEM((_NPAD,), jnp.float32),
        pltpu.VMEM_SHARED((_NPAD, D), jnp.bfloat16),
    ] + [pltpu.SemaphoreType.DMA for _ in range(4)]
      + [pltpu.SemaphoreType.DMA for _ in range(2)],
)
def _sc_segment_sum(x_hbm, pk_hbm, zeros_hbm, psum_hbm, cnt_hbm,
                    pk_t, s0, s1, s2, s3, d0, d1, d2, d3, r0, r1, r2, r3,
                    cnt_v, acc, g0, g1, g2, g3, t0, t1):
    c = lax.axis_index("c")
    s = lax.axis_index("s")
    wid = c * _NS + s
    base0 = wid * _EPT
    src_v = (s0, s1, s2, s3)
    dst_v = (d0, d1, d2, d3)
    rows_v = (r0, r1, r2, r3)
    semg = (g0, g1, g2, g3)
    sems = (t0, t1)

    nreal = N_EDGES // _NW
    pltpu.async_copy(pk_hbm.at[pl.ds(wid * nreal, nreal)],
                     pk_t.at[pl.ds(0, nreal)], g0)
    pltpu.sync_copy(zeros_hbm, acc.at[pl.ds(s * _RPT, _RPT)])

    iota16 = lax.iota(jnp.int32, 16)
    npad = _EPT - nreal
    for k in range(npad // 16):
        srcv = iota16 + (wid * npad + k * 16)
        dstv = iota16 + (N_NODES + k * 16)
        pk_t[pl.ds(nreal + k * 16, 16)] = lax.bitwise_or(
            srcv, lax.shift_left(dstv, _SHIFT))

    zeros16 = jnp.zeros((16,), jnp.float32)

    def zbody(i, carry):
        cnt_v[pl.ds(i * 16, 16)] = zeros16
        return carry

    lax.fori_loop(0, _NPAD // 16, zbody, 0)
    pltpu.make_async_copy(pk_hbm.at[pl.ds(wid * nreal, nreal)],
                          pk_t.at[pl.ds(0, nreal)], g0).wait()
    plsc.subcore_barrier()

    ones16 = jnp.ones((16,), jnp.float32)
    mask14 = jnp.full((16,), (1 << _SHIFT) - 1, jnp.int32)

    def extract(w, p):
        for j in range(_WIN // 16):
            pk = pk_t[pl.ds(w * _WIN + j * 16, 16)]
            src_v[p][pl.ds(j * 16, 16)] = lax.bitwise_and(pk, mask14)
            dst_v[p][pl.ds(j * 16, 16)] = lax.shift_right_logical(pk, _SHIFT)

    def launch_gather(p):
        pltpu.async_copy(x_hbm.at[src_v[p]], rows_v[p], semg[p])

    def wait_gather(p):
        pltpu.make_async_copy(x_hbm.at[src_v[p]], rows_v[p], semg[p]).wait()

    def launch_scatter(p, q):
        pltpu.async_copy(rows_v[p], acc.at[dst_v[p]], sems[q], add=True)

    def wait_scatter(p, q):
        pltpu.make_async_copy(rows_v[p], acc.at[dst_v[p]], sems[q]).wait()

    def hist(p):
        for j in range(_WIN // 16):
            dvec = dst_v[p][pl.ds(j * 16, 16)]
            plsc.addupdate_scatter(cnt_v, [dvec], ones16)

    for w in (0, 1):
        extract(w, w)
        launch_gather(w)

    def step(v, p):
        wait_gather(p)
        hist(p)

        @pl.when(v >= 2)
        def _():
            wait_scatter((p + 2) % 4, p % 2)

        launch_scatter(p, p % 2)

        @pl.when(v + 2 < _NWIN)
        def _():
            extract(v + 2, (p + 2) % 4)
            launch_gather((p + 2) % 4)

    def quad(i, carry):
        v = 4 * i
        step(v, 0)
        step(v + 1, 1)
        step(v + 2, 2)
        step(v + 3, 3)
        return carry

    lax.fori_loop(0, _NWIN // 4, quad, 0)
    wait_scatter(2, 0)
    wait_scatter(3, 1)

    plsc.subcore_barrier()
    pltpu.sync_copy(acc.at[pl.ds(s * _RPT, _RPT)],
                    psum_hbm.at[c, pl.ds(s * _RPT, _RPT)])
    pltpu.sync_copy(cnt_v, cnt_hbm.at[wid])


def _tc_body(psum_ref, cnts_ref, x_ref, wlt_ref, wrt_ref, bl_ref, g_ref,
             b_ref, o_ref):
    ones = jnp.ones((_NW, 1), jnp.float32)
    cnt = lax.dot_general(cnts_ref[...], ones, (((0,), (0,)), ((), ())),
                          preferred_element_type=jnp.float32)
    p = (psum_ref[0].astype(jnp.float32)
         + psum_ref[1].astype(jnp.float32))
    agg = p / jnp.maximum(cnt, 1.0)
    h = (jnp.dot(agg, wlt_ref[...], preferred_element_type=jnp.float32)
         + jnp.dot(x_ref[...], wrt_ref[...], preferred_element_type=jnp.float32)
         + bl_ref[...])
    mean = jnp.mean(h, axis=1, keepdims=True)
    d = h - mean
    var = jnp.mean(d * d, axis=1, keepdims=True)
    hn = d * lax.rsqrt(var + 1e-5) * g_ref[...] + b_ref[...]
    o_ref[...] = 0.5 * hn * (1.0 + lax.erf(hn * 0.7071067811865476))


def _tc_epilogue(psum, cnts, x, wlt, wrt, bl, g, b):
    bn = 1024
    grid = ((N_NODES + bn - 1) // bn,)
    return pl.pallas_call(
        _tc_body,
        grid=grid,
        in_specs=[
            pl.BlockSpec((_NC, bn, D), lambda i: (0, i, 0)),
            pl.BlockSpec((_NW, bn), lambda i: (0, i)),
            pl.BlockSpec((bn, D), lambda i: (i, 0)),
            pl.BlockSpec((D, D), lambda i: (0, 0)),
            pl.BlockSpec((D, D), lambda i: (0, 0)),
            pl.BlockSpec((1, D), lambda i: (0, 0)),
            pl.BlockSpec((1, D), lambda i: (0, 0)),
            pl.BlockSpec((1, D), lambda i: (0, 0)),
        ],
        out_specs=pl.BlockSpec((bn, D), lambda i: (i, 0)),
        out_shape=jax.ShapeDtypeStruct((N_NODES, D), jnp.float32),
    )(psum, cnts, x, wlt, wrt, bl, g, b)


def kernel(x, edge_index, W_l, b_l, W_r, ln_gamma, ln_beta):
    ei = edge_index.astype(jnp.int32)
    packed = ei[0] | (ei[1] << _SHIFT)
    zeros = jnp.zeros((_RPT, D), jnp.bfloat16)
    psum, cnts = _sc_segment_sum(x.astype(jnp.bfloat16), packed, zeros)
    return _tc_epilogue(psum, cnts, x, W_l.T, W_r.T,
                        b_l.reshape(1, D), ln_gamma.reshape(1, D),
                        ln_beta.reshape(1, D))

# --- scband reference (transcript-rebuilt; emitter-appended) ---
"""Pipeline reference for scband-homogeneous-graph-convolution-38860864094249 (READ-ONLY COPY).

The authoritative reference and input builder live on the scoring server;
editing this copy changes nothing except your own understanding.
"""

import jax, jax.numpy as jnp
import numpy as np

N_NODES = 10000
N_EDGES = 320000
D_IN = 128
D_OUT = 128


def setup_inputs(seed: int = 0) -> dict:
    key = jax.random.key(seed)
    k_x, k_e, k_wl, k_bl, k_wr = jax.random.split(key, 5)
    x = jax.random.normal(k_x, (N_NODES, D_IN), dtype=jnp.float32)
    edge_index = jax.random.randint(k_e, (2, N_EDGES), 0, N_NODES, dtype=jnp.int64)
    # SAGEConv params (PyG): lin_l (aggregated neighbors, with bias), lin_r (root, no bias)
    s_in = 1.0 / np.sqrt(D_IN)
    W_l = jax.random.uniform(k_wl, (D_OUT, D_IN), dtype=jnp.float32, minval=-s_in, maxval=s_in)
    b_l = jax.random.uniform(k_bl, (D_OUT,), dtype=jnp.float32, minval=-s_in, maxval=s_in)
    W_r = jax.random.uniform(k_wr, (D_OUT, D_IN), dtype=jnp.float32, minval=-s_in, maxval=s_in)
    # LayerNorm params
    ln_gamma = jnp.ones((D_OUT,), dtype=jnp.float32)
    ln_beta = jnp.zeros((D_OUT,), dtype=jnp.float32)
    return {"x": x, "edge_index": edge_index, "W_l": W_l, "b_l": b_l, "W_r": W_r,
            "ln_gamma": ln_gamma, "ln_beta": ln_beta}


def reference(x, edge_index, W_l, b_l, W_r, ln_gamma, ln_beta):
    n = x.shape[0]
    src = edge_index[0]
    dst = edge_index[1]
    # SAGEConv with mean aggregation: message = x[src], aggregated at dst
    msgs = jnp.take(x, src, axis=0)
    agg_sum = jax.ops.segment_sum(msgs, dst, num_segments=n)
    cnt = jax.ops.segment_sum(jnp.ones((edge_index.shape[1],), dtype=x.dtype), dst, num_segments=n)
    agg = agg_sum / jnp.clip(cnt, 1.0, None)[:, None]
    h = agg @ W_l.T + b_l + x @ W_r.T
    # LayerNorm over last dim (eps=1e-5)
    mean = jnp.mean(h, axis=-1, keepdims=True)
    var = jnp.mean((h - mean) ** 2, axis=-1, keepdims=True)
    hn = (h - mean) / jnp.sqrt(var + 1e-5) * ln_gamma + ln_beta
    # torch nn.GELU default is exact (erf-based)
    return jax.nn.gelu(hn, approximate=False)

if __name__ == "__main__":
    import jax
    _d = setup_inputs()
    print(jax.jit(kernel)(*tuple(_d.values())))

</pallas_src>

<mosaic_0001>
#map = affine_map<(d0, d1) -> (0, 0)>
#map1 = affine_map<(d0, d1) -> (0)>
#map2 = affine_map<(d0, d1) -> (0, 0, 0)>
module attributes {stable_mosaic.version = 14 : i64} {
  func.func @_sc_segment_sum(%arg0: i32, %arg1: i32, %arg2: memref<10000x128xbf16, #tpu.memory_space<hbm>>, %arg3: memref<320000xi32, #tpu.memory_space<hbm>>, %arg4: memref<640x128xbf16, #tpu.memory_space<hbm>>, %arg5: memref<2x10240x128xbf16, #tpu.memory_space<hbm>>, %arg6: memref<32x10240xf32, #tpu.memory_space<hbm>>, %arg7: memref<10240xi32, #tpu.memory_space<vmem>>, %arg8: memref<128xi32, #tpu.memory_space<vmem>>, %arg9: memref<128xi32, #tpu.memory_space<vmem>>, %arg10: memref<128xi32, #tpu.memory_space<vmem>>, %arg11: memref<128xi32, #tpu.memory_space<vmem>>, %arg12: memref<128xi32, #tpu.memory_space<vmem>>, %arg13: memref<128xi32, #tpu.memory_space<vmem>>, %arg14: memref<128xi32, #tpu.memory_space<vmem>>, %arg15: memref<128xi32, #tpu.memory_space<vmem>>, %arg16: memref<128x128xbf16, #tpu.memory_space<vmem>>, %arg17: memref<128x128xbf16, #tpu.memory_space<vmem>>, %arg18: memref<128x128xbf16, #tpu.memory_space<vmem>>, %arg19: memref<128x128xbf16, #tpu.memory_space<vmem>>, %arg20: memref<10240xf32, #tpu.memory_space<vmem>>, %arg21: memref<10240x128xbf16, #tpu.memory_space<vmem_shared>>, %arg22: memref<!tpu.dma_semaphore, #tpu.memory_space<semaphore_mem>>, %arg23: memref<!tpu.dma_semaphore, #tpu.memory_space<semaphore_mem>>, %arg24: memref<!tpu.dma_semaphore, #tpu.memory_space<semaphore_mem>>, %arg25: memref<!tpu.dma_semaphore, #tpu.memory_space<semaphore_mem>>, %arg26: memref<!tpu.dma_semaphore, #tpu.memory_space<semaphore_mem>>, %arg27: memref<!tpu.dma_semaphore, #tpu.memory_space<semaphore_mem>>) attributes {dimension_semantics = [#tpu.dimension_semantics<core_parallel>, #tpu.dimension_semantics<subcore_parallel>], iteration_bounds = array<i64: 2, 16>, scalar_prefetch = 0 : i64, scratch_operands = 21 : i64, tpu.core_type = #tpu.core_type<sc_vector_subcore>, window_params = [{transform_indices = #map}, {transform_indices = #map1}, {transform_indices = #map}, {transform_indices = #map2}, {transform_indices = #map}]} {
    %mul3A = arith.constant 16 : i32
    %mul3A_0 = arith.muli %arg0, %mul3A : i32
    %add3A = arith.addi %mul3A_0, %arg1 : i32
    %mul3A_1 = arith.constant 10240 : i32
    %mul3A_2 = arith.muli %add3A, %mul3A_1 : i32
    %mul3A_3 = arith.constant 10000 : i32
    %mul3A_4 = arith.muli %add3A, %mul3A_3 : i32
    %dma_start3A = arith.constant 0 : i32
    %dma_start3A_5 = tpu.memref_slice %arg7[%dma_start3A] : memref<10240xi32, #tpu.memory_space<vmem>> -> memref<10000xi32, #tpu.memory_space<vmem>>
    %dma_start3A_6 = tpu.memref_slice %arg3[%mul3A_4] : memref<320000xi32, #tpu.memory_space<hbm>> -> memref<10000xi32, #tpu.memory_space<hbm>>
    %dma_start3A_7 = arith.constant 0 : i32
    %dma_start3A_8 = tpu.memref_slice %arg7[%dma_start3A_7] : memref<10240xi32, #tpu.memory_space<vmem>> -> memref<10000xi32, #tpu.memory_space<vmem>>
    %dma_start3A_9 = tpu.memref_slice %arg3[%mul3A_4] : memref<320000xi32, #tpu.memory_space<hbm>> -> memref<10000xi32, #tpu.memory_space<hbm>>
    tpu.enqueue_dma source(%dma_start3A_9 : memref<10000xi32, #tpu.memory_space<hbm>>) target(%dma_start3A_8 : memref<10000xi32, #tpu.memory_space<vmem>>) target_semaphore(%arg22 : memref<!tpu.dma_semaphore, #tpu.memory_space<semaphore_mem>>)
    %mul3A_10 = arith.constant 640 : i32
    %mul3A_11 = arith.muli %arg1, %mul3A_10 : i32
    "tpu.region"() ({
      %run_scoped3A = tpu.sem_alloc : memref<!tpu.dma_semaphore, #tpu.memory_space<semaphore_mem>>
      %dma_start3A_431 = arith.constant 0 : i32
      %dma_start3A_432 = tpu.memref_slice %arg21[%mul3A_11, %dma_start3A_431] : memref<10240x128xbf16, #tpu.memory_space<vmem_shared>> -> memref<640x128xbf16, #tpu.memory_space<vmem_shared>>
      tpu.enqueue_dma source(%arg4 : memref<640x128xbf16, #tpu.memory_space<hbm>>) target(%dma_start3A_432 : memref<640x128xbf16, #tpu.memory_space<vmem_shared>>) target_semaphore(%run_scoped3A : memref<!tpu.dma_semaphore, #tpu.memory_space<semaphore_mem>>)
      %dma_wait3A_433 = arith.constant 0 : i32
      %dma_wait3A_434 = tpu.memref_slice %arg21[%mul3A_11, %dma_wait3A_433] : memref<10240x128xbf16, #tpu.memory_space<vmem_shared>> -> memref<640x128xbf16, #tpu.memory_space<vmem_shared>>
      tpu.wait_dma2 semaphore(%run_scoped3A : memref<!tpu.dma_semaphore, #tpu.memory_space<semaphore_mem>>) src(%arg4 : memref<640x128xbf16, #tpu.memory_space<hbm>>) dst(%dma_wait3A_434 : memref<640x128xbf16, #tpu.memory_space<vmem_shared>>)
      tpu.yield
    }) : () -> ()
    %iota3A = tpu.iota {dimensions = array<i32: 0>} : vector<16xi32>
    %mul3A_12 = arith.constant 240 : i32
    %mul3A_13 = arith.muli %add3A, %mul3A_12 : i32
    %add3A_14 = arith.constant 0 : i32
    %add3A_15 = arith.addi %mul3A_13, %add3A_14 : i32
    %add3A_16 = vector.broadcast %add3A_15 : i32 to vector<16xi32>
    %add3A_17 = arith.addi %iota3A, %add3A_16 : vector<16xi32>
    %add3A_18 = arith.constant 10000 : i32
    %add3A_19 = vector.broadcast %add3A_18 : i32 to vector<16xi32>
    %add3A_20 = arith.addi %iota3A, %add3A_19 : vector<16xi32>
    %shift_left3A = arith.constant 14 : i32
    %shift_left3A_21 = vector.broadcast %shift_left3A : i32 to vector<16xi32>
    %shift_left3A_22 = arith.shli %add3A_20, %shift_left3A_21 : vector<16xi32>
    %or3A = arith.ori %add3A_17, %shift_left3A_22 : vector<16xi32>
    %swap3A = arith.constant 10000 : index
    %swap3A_23 = tpu.vector_load %arg7[%swap3A] {strides = array<i32>} : memref<10240xi32, #tpu.memory_space<vmem>>, vector<16xi32>,
    tpu.vector_store %arg7[%swap3A], %or3A {strides = array<i32>} : memref<10240xi32, #tpu.memory_space<vmem>>, vector<16xi32>,
    %mul3A_24 = arith.constant 240 : i32
    %mul3A_25 = arith.muli %add3A, %mul3A_24 : i32
    %add3A_26 = arith.constant 16 : i32
    %add3A_27 = arith.addi %mul3A_25, %add3A_26 : i32
    %add3A_28 = vector.broadcast %add3A_27 : i32 to vector<16xi32>
    %add3A_29 = arith.addi %iota3A, %add3A_28 : vector<16xi32>
    %add3A_30 = arith.constant 10016 : i32
    %add3A_31 = vector.broadcast %add3A_30 : i32 to vector<16xi32>
    %add3A_32 = arith.addi %iota3A, %add3A_31 : vector<16xi32>
    %shift_left3A_33 = arith.constant 14 : i32
    %shift_left3A_34 = vector.broadcast %shift_left3A_33 : i32 to vector<16xi32>
    %shift_left3A_35 = arith.shli %add3A_32, %shift_left3A_34 : vector<16xi32>
    %or3A_36 = arith.ori %add3A_29, %shift_left3A_35 : vector<16xi32>
    %swap3A_37 = arith.constant 10016 : index
    %swap3A_38 = tpu.vector_load %arg7[%swap3A_37] {strides = array<i32>} : memref<10240xi32, #tpu.memory_space<vmem>>, vector<16xi32>,
    tpu.vector_store %arg7[%swap3A_37], %or3A_36 {strides = array<i32>} : memref<10240xi32, #tpu.memory_space<vmem>>, vector<16xi32>,
    %mul3A_39 = arith.constant 240 : i32
    %mul3A_40 = arith.muli %add3A, %mul3A_39 : i32
    %add3A_41 = arith.constant 32 : i32
    %add3A_42 = arith.addi %mul3A_40, %add3A_41 : i32
    %add3A_43 = vector.broadcast %add3A_42 : i32 to vector<16xi32>
    %add3A_44 = arith.addi %iota3A, %add3A_43 : vector<16xi32>
    %add3A_45 = arith.constant 10032 : i32
    %add3A_46 = vector.broadcast %add3A_45 : i32 to vector<16xi32>
    %add3A_47 = arith.addi %iota3A, %add3A_46 : vector<16xi32>
    %shift_left3A_48 = arith.constant 14 : i32
    %shift_left3A_49 = vector.broadcast %shift_left3A_48 : i32 to vector<16xi32>
    %shift_left3A_50 = arith.shli %add3A_47, %shift_left3A_49 : vector<16xi32>
    %or3A_51 = arith.ori %add3A_44, %shift_left3A_50 : vector<16xi32>
    %swap3A_52 = arith.constant 10032 : index
    %swap3A_53 = tpu.vector_load %arg7[%swap3A_52] {strides = array<i32>} : memref<10240xi32, #tpu.memory_space<vmem>>, vector<16xi32>,
    tpu.vector_store %arg7[%swap3A_52], %or3A_51 {strides = array<i32>} : memref<10240xi32, #tpu.memory_space<vmem>>, vector<16xi32>,
    %mul3A_54 = arith.constant 240 : i32
    %mul3A_55 = arith.muli %add3A, %mul3A_54 : i32
    %add3A_56 = arith.constant 48 : i32
    %add3A_57 = arith.addi %mul3A_55, %add3A_56 : i32
    %add3A_58 = vector.broadcast %add3A_57 : i32 to vector<16xi32>
    %add3A_59 = arith.addi %iota3A, %add3A_58 : vector<16xi32>
    %add3A_60 = arith.constant 10048 : i32
    %add3A_61 = vector.broadcast %add3A_60 : i32 to vector<16xi32>
    %add3A_62 = arith.addi %iota3A, %add3A_61 : vector<16xi32>
    %shift_left3A_63 = arith.constant 14 : i32
    %shift_left3A_64 = vector.broadcast %shift_left3A_63 : i32 to vector<16xi32>
    %shift_left3A_65 = arith.shli %add3A_62, %shift_left3A_64 : vector<16xi32>
    %or3A_66 = arith.ori %add3A_59, %shift_left3A_65 : vector<16xi32>
    %swap3A_67 = arith.constant 10048 : index
    %swap3A_68 = tpu.vector_load %arg7[%swap3A_67] {strides = array<i32>} : memref<10240xi32, #tpu.memory_space<vmem>>, vector<16xi32>,
    tpu.vector_store %arg7[%swap3A_67], %or3A_66 {strides = array<i32>} : memref<10240xi32, #tpu.memory_space<vmem>>, vector<16xi32>,
    %mul3A_69 = arith.constant 240 : i32
    %mul3A_70 = arith.muli %add3A, %mul3A_69 : i32
    %add3A_71 = arith.constant 64 : i32
    %add3A_72 = arith.addi %mul3A_70, %add3A_71 : i32
    %add3A_73 = vector.broadcast %add3A_72 : i32 to vector<16xi32>
    %add3A_74 = arith.addi %iota3A, %add3A_73 : vector<16xi32>
    %add3A_75 = arith.constant 10064 : i32
    %add3A_76 = vector.broadcast %add3A_75 : i32 to vector<16xi32>
    %add3A_77 = arith.addi %iota3A, %add3A_76 : vector<16xi32>
    %shift_left3A_78 = arith.constant 14 : i32
    %shift_left3A_79 = vector.broadcast %shift_left3A_78 : i32 to vector<16xi32>
    %shift_left3A_80 = arith.shli %add3A_77, %shift_left3A_79 : vector<16xi32>
    %or3A_81 = arith.ori %add3A_74, %shift_left3A_80 : vector<16xi32>
    %swap3A_82 = arith.constant 10064 : index
    %swap3A_83 = tpu.vector_load %arg7[%swap3A_82] {strides = array<i32>} : memref<10240xi32, #tpu.memory_space<vmem>>, vector<16xi32>,
    tpu.vector_store %arg7[%swap3A_82], %or3A_81 {strides = array<i32>} : memref<10240xi32, #tpu.memory_space<vmem>>, vector<16xi32>,
    %mul3A_84 = arith.constant 240 : i32
    %mul3A_85 = arith.muli %add3A, %mul3A_84 : i32
    %add3A_86 = arith.constant 80 : i32
    %add3A_87 = arith.addi %mul3A_85, %add3A_86 : i32
    %add3A_88 = vector.broadcast %add3A_87 : i32 to vector<16xi32>
    %add3A_89 = arith.addi %iota3A, %add3A_88 : vector<16xi32>
    %add3A_90 = arith.constant 10080 : i32
    %add3A_91 = vector.broadcast %add3A_90 : i32 to vector<16xi32>
    %add3A_92 = arith.addi %iota3A, %add3A_91 : vector<16xi32>
    %shift_left3A_93 = arith.constant 14 : i32
    %shift_left3A_94 = vector.broadcast %shift_left3A_93 : i32 to vector<16xi32>
    %shift_left3A_95 = arith.shli %add3A_92, %shift_left3A_94 : vector<16xi32>
    %or3A_96 = arith.ori %add3A_89, %shift_left3A_95 : vector<16xi32>
    %swap3A_97 = arith.constant 10080 : index
    %swap3A_98 = tpu.vector_load %arg7[%swap3A_97] {strides = array<i32>} : memref<10240xi32, #tpu.memory_space<vmem>>, vector<16xi32>,
    tpu.vector_store %arg7[%swap3A_97], %or3A_96 {strides = array<i32>} : memref<10240xi32, #tpu.memory_space<vmem>>, vector<16xi32>,
    %mul3A_99 = arith.constant 240 : i32
    %mul3A_100 = arith.muli %add3A, %mul3A_99 : i32
    %add3A_101 = arith.constant 96 : i32
    %add3A_102 = arith.addi %mul3A_100, %add3A_101 : i32
    %add3A_103 = vector.broadcast %add3A_102 : i32 to vector<16xi32>
    %add3A_104 = arith.addi %iota3A, %add3A_103 : vector<16xi32>
    %add3A_105 = arith.constant 10096 : i32
    %add3A_106 = vector.broadcast %add3A_105 : i32 to vector<16xi32>
    %add3A_107 = arith.addi %iota3A, %add3A_106 : vector<16xi32>
    %shift_left3A_108 = arith.constant 14 : i32
    %shift_left3A_109 = vector.broadcast %shift_left3A_108 : i32 to vector<16xi32>
    %shift_left3A_110 = arith.shli %add3A_107, %shift_left3A_109 : vector<16xi32>
    %or3A_111 = arith.ori %add3A_104, %shift_left3A_110 : vector<16xi32>
    %swap3A_112 = arith.constant 10096 : index
    %swap3A_113 = tpu.vector_load %arg7[%swap3A_112] {strides = array<i32>} : memref<10240xi32, #tpu.memory_space<vmem>>, vector<16xi32>,
    tpu.vector_store %arg7[%swap3A_112], %or3A_111 {strides = array<i32>} : memref<10240xi32, #tpu.memory_space<vmem>>, vector<16xi32>,
    %mul3A_114 = arith.constant 240 : i32
    %mul3A_115 = arith.muli %add3A, %mul3A_114 : i32
    %add3A_116 = arith.constant 112 : i32
    %add3A_117 = arith.addi %mul3A_115, %add3A_116 : i32
    %add3A_118 = vector.broadcast %add3A_117 : i32 to vector<16xi32>
    %add3A_119 = arith.addi %iota3A, %add3A_118 : vector<16xi32>
    %add3A_120 = arith.constant 10112 : i32
    %add3A_121 = vector.broadcast %add3A_120 : i32 to vector<16xi32>
    %add3A_122 = arith.addi %iota3A, %add3A_121 : vector<16xi32>
    %shift_left3A_123 = arith.constant 14 : i32
    %shift_left3A_124 = vector.broadcast %shift_left3A_123 : i32 to vector<16xi32>
    %shift_left3A_125 = arith.shli %add3A_122, %shift_left3A_124 : vector<16xi32>
    %or3A_126 = arith.ori %add3A_119, %shift_left3A_125 : vector<16xi32>
    %swap3A_127 = arith.constant 10112 : index
    %swap3A_128 = tpu.vector_load %arg7[%swap3A_127] {strides = array<i32>} : memref<10240xi32, #tpu.memory_space<vmem>>, vector<16xi32>,
    tpu.vector_store %arg7[%swap3A_127], %or3A_126 {strides = array<i32>} : memref<10240xi32, #tpu.memory_space<vmem>>, vector<16xi32>,
    %mul3A_129 = arith.constant 240 : i32
    %mul3A_130 = arith.muli %add3A, %mul3A_129 : i32
    %add3A_131 = arith.constant 128 : i32
    %add3A_132 = arith.addi %mul3A_130, %add3A_131 : i32
    %add3A_133 = vector.broadcast %add3A_132 : i32 to vector<16xi32>
    %add3A_134 = arith.addi %iota3A, %add3A_133 : vector<16xi32>
    %add3A_135 = arith.constant 10128 : i32
    %add3A_136 = vector.broadcast %add3A_135 : i32 to vector<16xi32>
    %add3A_137 = arith.addi %iota3A, %add3A_136 : vector<16xi32>
    %shift_left3A_138 = arith.constant 14 : i32
    %shift_left3A_139 = vector.broadcast %shift_left3A_138 : i32 to vector<16xi32>
    %shift_left3A_140 = arith.shli %add3A_137, %shift_left3A_139 : vector<16xi32>
    %or3A_141 = arith.ori %add3A_134, %shift_left3A_140 : vector<16xi32>
    %swap3A_142 = arith.constant 10128 : index
    %swap3A_143 = tpu.vector_load %arg7[%swap3A_142] {strides = array<i32>} : memref<10240xi32, #tpu.memory_space<vmem>>, vector<16xi32>,
    tpu.vector_store %arg7[%swap3A_142], %or3A_141 {strides = array<i32>} : memref<10240xi32, #tpu.memory_space<vmem>>, vector<16xi32>,
    %mul3A_144 = arith.constant 240 : i32
    %mul3A_145 = arith.muli %add3A, %mul3A_144 : i32
    %add3A_146 = arith.constant 144 : i32
    %add3A_147 = arith.addi %mul3A_145, %add3A_146 : i32
    %add3A_148 = vector.broadcast %add3A_147 : i32 to vector<16xi32>
    %add3A_149 = arith.addi %iota3A, %add3A_148 : vector<16xi32>
    %add3A_150 = arith.constant 10144 : i32
    %add3A_151 = vector.broadcast %add3A_150 : i32 to vector<16xi32>
    %add3A_152 = arith.addi %iota3A, %add3A_151 : vector<16xi32>
    %shift_left3A_153 = arith.constant 14 : i32
    %shift_left3A_154 = vector.broadcast %shift_left3A_153 : i32 to vector<16xi32>
    %shift_left3A_155 = arith.shli %add3A_152, %shift_left3A_154 : vector<16xi32>
    %or3A_156 = arith.ori %add3A_149, %shift_left3A_155 : vector<16xi32>
    %swap3A_157 = arith.constant 10144 : index
    %swap3A_158 = tpu.vector_load %arg7[%swap3A_157] {strides = array<i32>} : memref<10240xi32, #tpu.memory_space<vmem>>, vector<16xi32>,
    tpu.vector_store %arg7[%swap3A_157], %or3A_156 {strides = array<i32>} : memref<10240xi32, #tpu.memory_space<vmem>>, vector<16xi32>,
    %mul3A_159 = arith.constant 240 : i32
    %mul3A_160 = arith.muli %add3A, %mul3A_159 : i32
    %add3A_161 = arith.constant 160 : i32
    %add3A_162 = arith.addi %mul3A_160, %add3A_161 : i32
    %add3A_163 = vector.broadcast %add3A_162 : i32 to vector<16xi32>
    %add3A_164 = arith.addi %iota3A, %add3A_163 : vector<16xi32>
    %add3A_165 = arith.constant 10160 : i32
    %add3A_166 = vector.broadcast %add3A_165 : i32 to vector<16xi32>
    %add3A_167 = arith.addi %iota3A, %add3A_166 : vector<16xi32>
    %shift_left3A_168 = arith.constant 14 : i32
    %shift_left3A_169 = vector.broadcast %shift_left3A_168 : i32 to vector<16xi32>
    %shift_left3A_170 = arith.shli %add3A_167, %shift_left3A_169 : vector<16xi32>
    %or3A_171 = arith.ori %add3A_164, %shift_left3A_170 : vector<16xi32>
    %swap3A_172 = arith.constant 10160 : index
    %swap3A_173 = tpu.vector_load %arg7[%swap3A_172] {strides = array<i32>} : memref<10240xi32, #tpu.memory_space<vmem>>, vector<16xi32>,
    tpu.vector_store %arg7[%swap3A_172], %or3A_171 {strides = array<i32>} : memref<10240xi32, #tpu.memory_space<vmem>>, vector<16xi32>,
    %mul3A_174 = arith.constant 240 : i32
    %mul3A_175 = arith.muli %add3A, %mul3A_174 : i32
    %add3A_176 = arith.constant 176 : i32
    %add3A_177 = arith.addi %mul3A_175, %add3A_176 : i32
    %add3A_178 = vector.broadcast %add3A_177 : i32 to vector<16xi32>
    %add3A_179 = arith.addi %iota3A, %add3A_178 : vector<16xi32>
    %add3A_180 = arith.constant 10176 : i32
    %add3A_181 = vector.broadcast %add3A_180 : i32 to vector<16xi32>
    %add3A_182 = arith.addi %iota3A, %add3A_181 : vector<16xi32>
    %shift_left3A_183 = arith.constant 14 : i32
    %shift_left3A_184 = vector.broadcast %shift_left3A_183 : i32 to vector<16xi32>
    %shift_left3A_185 = arith.shli %add3A_182, %shift_left3A_184 : vector<16xi32>
    %or3A_186 = arith.ori %add3A_179, %shift_left3A_185 : vector<16xi32>
    %swap3A_187 = arith.constant 10176 : index
    %swap3A_188 = tpu.vector_load %arg7[%swap3A_187] {strides = array<i32>} : memref<10240xi32, #tpu.memory_space<vmem>>, vector<16xi32>,
    tpu.vector_store %arg7[%swap3A_187], %or3A_186 {strides = array<i32>} : memref<10240xi32, #tpu.memory_space<vmem>>, vector<16xi32>,
    %mul3A_189 = arith.constant 240 : i32
    %mul3A_190 = arith.muli %add3A, %mul3A_189 : i32
    %add3A_191 = arith.constant 192 : i32
    %add3A_192 = arith.addi %mul3A_190, %add3A_191 : i32
    %add3A_193 = vector.broadcast %add3A_192 : i32 to vector<16xi32>
    %add3A_194 = arith.addi %iota3A, %add3A_193 : vector<16xi32>
    %add3A_195 = arith.constant 10192 : i32
    %add3A_196 = vector.broadcast %add3A_195 : i32 to vector<16xi32>
    %add3A_197 = arith.addi %iota3A, %add3A_196 : vector<16xi32>
    %shift_left3A_198 = arith.constant 14 : i32
    %shift_left3A_199 = vector.broadcast %shift_left3A_198 : i32 to vector<16xi32>
    %shift_left3A_200 = arith.shli %add3A_197, %shift_left3A_199 : vector<16xi32>
    %or3A_201 = arith.ori %add3A_194, %shift_left3A_200 : vector<16xi32>
    %swap3A_202 = arith.constant 10192 : index
    %swap3A_203 = tpu.vector_load %arg7[%swap3A_202] {strides = array<i32>} : memref<10240xi32, #tpu.memory_space<vmem>>, vector<16xi32>,
    tpu.vector_store %arg7[%swap3A_202], %or3A_201 {strides = array<i32>} : memref<10240xi32, #tpu.memory_space<vmem>>, vector<16xi32>,
    %mul3A_204 = arith.constant 240 : i32
    %mul3A_205 = arith.muli %add3A, %mul3A_204 : i32
    %add3A_206 = arith.constant 208 : i32
    %add3A_207 = arith.addi %mul3A_205, %add3A_206 : i32
    %add3A_208 = vector.broadcast %add3A_207 : i32 to vector<16xi32>
    %add3A_209 = arith.addi %iota3A, %add3A_208 : vector<16xi32>
    %add3A_210 = arith.constant 10208 : i32
    %add3A_211 = vector.broadcast %add3A_210 : i32 to vector<16xi32>
    %add3A_212 = arith.addi %iota3A, %add3A_211 : vector<16xi32>
    %shift_left3A_213 = arith.constant 14 : i32
    %shift_left3A_214 = vector.broadcast %shift_left3A_213 : i32 to vector<16xi32>
    %shift_left3A_215 = arith.shli %add3A_212, %shift_left3A_214 : vector<16xi32>
    %or3A_216 = arith.ori %add3A_209, %shift_left3A_215 : vector<16xi32>
    %swap3A_217 = arith.constant 10208 : index
    %swap3A_218 = tpu.vector_load %arg7[%swap3A_217] {strides = array<i32>} : memref<10240xi32, #tpu.memory_space<vmem>>, vector<16xi32>,
    tpu.vector_store %arg7[%swap3A_217], %or3A_216 {strides = array<i32>} : memref<10240xi32, #tpu.memory_space<vmem>>, vector<16xi32>,
    %mul3A_219 = arith.constant 240 : i32
    %mul3A_220 = arith.muli %add3A, %mul3A_219 : i32
    %add3A_221 = arith.constant 224 : i32
    %add3A_222 = arith.addi %mul3A_220, %add3A_221 : i32
    %add3A_223 = vector.broadcast %add3A_222 : i32 to vector<16xi32>
    %add3A_224 = arith.addi %iota3A, %add3A_223 : vector<16xi32>
    %add3A_225 = arith.constant 10224 : i32
    %add3A_226 = vector.broadcast %add3A_225 : i32 to vector<16xi32>
    %add3A_227 = arith.addi %iota3A, %add3A_226 : vector<16xi32>
    %shift_left3A_228 = arith.constant 14 : i32
    %shift_left3A_229 = vector.broadcast %shift_left3A_228 : i32 to vector<16xi32>
    %shift_left3A_230 = arith.shli %add3A_227, %shift_left3A_229 : vector<16xi32>
    %or3A_231 = arith.ori %add3A_224, %shift_left3A_230 : vector<16xi32>
    %swap3A_232 = arith.constant 10224 : index
    %swap3A_233 = tpu.vector_load %arg7[%swap3A_232] {strides = array<i32>} : memref<10240xi32, #tpu.memory_space<vmem>>, vector<16xi32>,
    tpu.vector_store %arg7[%swap3A_232], %or3A_231 {strides = array<i32>} : memref<10240xi32, #tpu.memory_space<vmem>>, vector<16xi32>,
    %broadcast_in_dim3A = arith.constant 0.000000e+00 : f32
    %broadcast_in_dim3A_234 = vector.broadcast %broadcast_in_dim3A : f32 to vector<16xf32>
    %scan3A = arith.constant 0 : i32
    %scan3A_235 = arith.constant 0 : i32
    %scan3A_236 = arith.constant 640 : i32
    %scan3A_237 = arith.addi %scan3A_235, %scan3A_236 : i32
    %scan3A_238 = arith.constant 1 : i32
    scf.for %scan3A_431 = %scan3A_235 to %scan3A_237 step %scan3A_238  : i32 {
      %mul3A_432 = arith.constant 16 : i32
      %mul3A_433 = arith.muli %scan3A_431, %mul3A_432 : i32
      %swap3A_434 = arith.index_cast %mul3A_433 : i32 to index
      %swap3A_435 = tpu.vector_load %arg20[%swap3A_434] {strides = array<i32>} : memref<10240xf32, #tpu.memory_space<vmem>>, vector<16xf32>,
      tpu.vector_store %arg20[%swap3A_434], %broadcast_in_dim3A_234 {strides = array<i32>} : memref<10240xf32, #tpu.memory_space<vmem>>, vector<16xf32>,
    }
    %scan3A_239 = arith.constant 640 : i32
    %mul3A_240 = arith.constant 10000 : i32
    %mul3A_241 = arith.muli %add3A, %mul3A_240 : i32
    %dma_wait3A = arith.constant 0 : i32
    %dma_wait3A_242 = tpu.memref_slice %arg7[%dma_wait3A] : memref<10240xi32, #tpu.memory_space<vmem>> -> memref<10000xi32, #tpu.memory_space<vmem>>
    %dma_wait3A_243 = tpu.memref_slice %arg3[%mul3A_241] : memref<320000xi32, #tpu.memory_space<hbm>> -> memref<10000xi32, #tpu.memory_space<hbm>>
    %dma_wait3A_244 = arith.constant 0 : i32
    %dma_wait3A_245 = tpu.memref_slice %arg7[%dma_wait3A_244] : memref<10240xi32, #tpu.memory_space<vmem>> -> memref<10000xi32, #tpu.memory_space<vmem>>
    %dma_wait3A_246 = tpu.memref_slice %arg3[%mul3A_241] : memref<320000xi32, #tpu.memory_space<hbm>> -> memref<10000xi32, #tpu.memory_space<hbm>>
    tpu.wait_dma2 semaphore(%arg22 : memref<!tpu.dma_semaphore, #tpu.memory_space<semaphore_mem>>) src(%dma_wait3A_246 : memref<10000xi32, #tpu.memory_space<hbm>>) dst(%dma_wait3A_245 : memref<10000xi32, #tpu.memory_space<vmem>>)
    %barrier3A = arith.constant 0 : index
    tpu.barrier barrier_id(%barrier3A)
    %broadcast_in_dim3A_247 = arith.constant 1.000000e+00 : f32
    %broadcast_in_dim3A_248 = vector.broadcast %broadcast_in_dim3A_247 : f32 to vector<16xf32>
    %broadcast_in_dim3A_249 = arith.constant 16383 : i32
    %broadcast_in_dim3A_250 = vector.broadcast %broadcast_in_dim3A_249 : i32 to vector<16xi32>
    %get3A = arith.constant 0 : index
    %get3A_251 = tpu.vector_load %arg7[%get3A] {strides = array<i32>} : memref<10240xi32, #tpu.memory_space<vmem>>, vector<16xi32>,
    %and3A = arith.andi %get3A_251, %broadcast_in_dim3A_250 : vector<16xi32>
    %swap3A_252 = arith.constant 0 : index
    %swap3A_253 = tpu.vector_load %arg8[%swap3A_252] {strides = array<i32>} : memref<128xi32, #tpu.memory_space<vmem>>, vector<16xi32>,
    tpu.vector_store %arg8[%swap3A_252], %and3A {strides = array<i32>} : memref<128xi32, #tpu.memory_space<vmem>>, vector<16xi32>,
    %shift_right_logical3A = arith.constant 14 : i32
    %shift_right_logical3A_254 = vector.broadcast %shift_right_logical3A : i32 to vector<16xi32>
    %shift_right_logical3A_255 = arith.shrui %get3A_251, %shift_right_logical3A_254 : vector<16xi32>
    %swap3A_256 = arith.constant 0 : index
    %swap3A_257 = tpu.vector_load %arg12[%swap3A_256] {strides = array<i32>} : memref<128xi32, #tpu.memory_space<vmem>>, vector<16xi32>,
    tpu.vector_store %arg12[%swap3A_256], %shift_right_logical3A_255 {strides = array<i32>} : memref<128xi32, #tpu.memory_space<vmem>>, vector<16xi32>,
    %get3A_258 = arith.constant 16 : index
    %get3A_259 = tpu.vector_load %arg7[%get3A_258] {strides = array<i32>} : memref<10240xi32, #tpu.memory_space<vmem>>, vector<16xi32>,
    %and3A_260 = arith.andi %get3A_259, %broadcast_in_dim3A_250 : vector<16xi32>
    %swap3A_261 = arith.constant 16 : index
    %swap3A_262 = tpu.vector_load %arg8[%swap3A_261] {strides = array<i32>} : memref<128xi32, #tpu.memory_space<vmem>>, vector<16xi32>,
    tpu.vector_store %arg8[%swap3A_261], %and3A_260 {strides = array<i32>} : memref<128xi32, #tpu.memory_space<vmem>>, vector<16xi32>,
    %shift_right_logical3A_263 = arith.constant 14 : i32
    %shift_right_logical3A_264 = vector.broadcast %shift_right_logical3A_263 : i32 to vector<16xi32>
    %shift_right_logical3A_265 = arith.shrui %get3A_259, %shift_right_logical3A_264 : vector<16xi32>
    %swap3A_266 = arith.constant 16 : index
    %swap3A_267 = tpu.vector_load %arg12[%swap3A_266] {strides = array<i32>} : memref<128xi32, #tpu.memory_space<vmem>>, vector<16xi32>,
    tpu.vector_store %arg12[%swap3A_266], %shift_right_logical3A_265 {strides = array<i32>} : memref<128xi32, #tpu.memory_space<vmem>>, vector<16xi32>,
    %get3A_268 = arith.constant 32 : index
    %get3A_269 = tpu.vector_load %arg7[%get3A_268] {strides = array<i32>} : memref<10240xi32, #tpu.memory_space<vmem>>, vector<16xi32>,
    %and3A_270 = arith.andi %get3A_269, %broadcast_in_dim3A_250 : vector<16xi32>
    %swap3A_271 = arith.constant 32 : index
    %swap3A_272 = tpu.vector_load %arg8[%swap3A_271] {strides = array<i32>} : memref<128xi32, #tpu.memory_space<vmem>>, vector<16xi32>,
    tpu.vector_store %arg8[%swap3A_271], %and3A_270 {strides = array<i32>} : memref<128xi32, #tpu.memory_space<vmem>>, vector<16xi32>,
    %shift_right_logical3A_273 = arith.constant 14 : i32
    %shift_right_logical3A_274 = vector.broadcast %shift_right_logical3A_273 : i32 to vector<16xi32>
    %shift_right_logical3A_275 = arith.shrui %get3A_269, %shift_right_logical3A_274 : vector<16xi32>
    %swap3A_276 = arith.constant 32 : index
    %swap3A_277 = tpu.vector_load %arg12[%swap3A_276] {strides = array<i32>} : memref<128xi32, #tpu.memory_space<vmem>>, vector<16xi32>,
    tpu.vector_store %arg12[%swap3A_276], %shift_right_logical3A_275 {strides = array<i32>} : memref<128xi32, #tpu.memory_space<vmem>>, vector<16xi32>,
    %get3A_278 = arith.constant 48 : index
    %get3A_279 = tpu.vector_load %arg7[%get3A_278] {strides = array<i32>} : memref<10240xi32, #tpu.memory_space<vmem>>, vector<16xi32>,
    %and3A_280 = arith.andi %get3A_279, %broadcast_in_dim3A_250 : vector<16xi32>
    %swap3A_281 = arith.constant 48 : index
    %swap3A_282 = tpu.vector_load %arg8[%swap3A_281] {strides = array<i32>} : memref<128xi32, #tpu.memory_space<vmem>>, vector<16xi32>,
    tpu.vector_store %arg8[%swap3A_281], %and3A_280 {strides = array<i32>} : memref<128xi32, #tpu.memory_space<vmem>>, vector<16xi32>,
    %shift_right_logical3A_283 = arith.constant 14 : i32
    %shift_right_logical3A_284 = vector.broadcast %shift_right_logical3A_283 : i32 to vector<16xi32>
    %shift_right_logical3A_285 = arith.shrui %get3A_279, %shift_right_logical3A_284 : vector<16xi32>
    %swap3A_286 = arith.constant 48 : index
    %swap3A_287 = tpu.vector_load %arg12[%swap3A_286] {strides = array<i32>} : memref<128xi32, #tpu.memory_space<vmem>>, vector<16xi32>,
    tpu.vector_store %arg12[%swap3A_286], %shift_right_logical3A_285 {strides = array<i32>} : memref<128xi32, #tpu.memory_space<vmem>>, vector<16xi32>,
    %get3A_288 = arith.constant 64 : index
    %get3A_289 = tpu.vector_load %arg7[%get3A_288] {strides = array<i32>} : memref<10240xi32, #tpu.memory_space<vmem>>, vector<16xi32>,
    %and3A_290 = arith.andi %get3A_289, %broadcast_in_dim3A_250 : vector<16xi32>
    %swap3A_291 = arith.constant 64 : index
    %swap3A_292 = tpu.vector_load %arg8[%swap3A_291] {strides = array<i32>} : memref<128xi32, #tpu.memory_space<vmem>>, vector<16xi32>,
    tpu.vector_store %arg8[%swap3A_291], %and3A_290 {strides = array<i32>} : memref<128xi32, #tpu.memory_space<vmem>>, vector<16xi32>,
    %shift_right_logical3A_293 = arith.constant 14 : i32
    %shift_right_logical3A_294 = vector.broadcast %shift_right_logical3A_293 : i32 to vector<16xi32>
    %shift_right_logical3A_295 = arith.shrui %get3A_289, %shift_right_logical3A_294 : vector<16xi32>
    %swap3A_296 = arith.constant 64 : index
    %swap3A_297 = tpu.vector_load %arg12[%swap3A_296] {strides = array<i32>} : memref<128xi32, #tpu.memory_space<vmem>>, vector<16xi32>,
    tpu.vector_store %arg12[%swap3A_296], %shift_right_logical3A_295 {strides = array<i32>} : memref<128xi32, #tpu.memory_space<vmem>>, vector<16xi32>,
    %get3A_298 = arith.constant 80 : index
    %get3A_299 = tpu.vector_load %arg7[%get3A_298] {strides = array<i32>} : memref<10240xi32, #tpu.memory_space<vmem>>, vector<16xi32>,
    %and3A_300 = arith.andi %get3A_299, %broadcast_in_dim3A_250 : vector<16xi32>
    %swap3A_301 = arith.constant 80 : index
    %swap3A_302 = tpu.vector_load %arg8[%swap3A_301] {strides = array<i32>} : memref<128xi32, #tpu.memory_space<vmem>>, vector<16xi32>,
    tpu.vector_store %arg8[%swap3A_301], %and3A_300 {strides = array<i32>} : memref<128xi32, #tpu.memory_space<vmem>>, vector<16xi32>,
    %shift_right_logical3A_303 = arith.constant 14 : i32
    %shift_right_logical3A_304 = vector.broadcast %shift_right_logical3A_303 : i32 to vector<16xi32>
    %shift_right_logical3A_305 = arith.shrui %get3A_299, %shift_right_logical3A_304 : vector<16xi32>
    %swap3A_306 = arith.constant 80 : index
    %swap3A_307 = tpu.vector_load %arg12[%swap3A_306] {strides = array<i32>} : memref<128xi32, #tpu.memory_space<vmem>>, vector<16xi32>,
    tpu.vector_store %arg12[%swap3A_306], %shift_right_logical3A_305 {strides = array<i32>} : memref<128xi32, #tpu.memory_space<vmem>>, vector<16xi32>,
    %get3A_308 = arith.constant 96 : index
    %get3A_309 = tpu.vector_load %arg7[%get3A_308] {strides = array<i32>} : memref<10240xi32, #tpu.memory_space<vmem>>, vector<16xi32>,
    %and3A_310 = arith.andi %get3A_309, %broadcast_in_dim3A_250 : vector<16xi32>
    %swap3A_311 = arith.constant 96 : index
    %swap3A_312 = tpu.vector_load %arg8[%swap3A_311] {strides = array<i32>} : memref<128xi32, #tpu.memory_space<vmem>>, vector<16xi32>,
    tpu.vector_store %arg8[%swap3A_311], %and3A_310 {strides = array<i32>} : memref<128xi32, #tpu.memory_space<vmem>>, vector<16xi32>,
    %shift_right_logical3A_313 = arith.constant 14 : i32
    %shift_right_logical3A_314 = vector.broadcast %shift_right_logical3A_313 : i32 to vector<16xi32>
    %shift_right_logical3A_315 = arith.shrui %get3A_309, %shift_right_logical3A_314 : vector<16xi32>
    %swap3A_316 = arith.constant 96 : index
    %swap3A_317 = tpu.vector_load %arg12[%swap3A_316] {strides = array<i32>} : memref<128xi32, #tpu.memory_space<vmem>>, vector<16xi32>,
    tpu.vector_store %arg12[%swap3A_316], %shift_right_logical3A_315 {strides = array<i32>} : memref<128xi32, #tpu.memory_space<vmem>>, vector<16xi32>,
    %get3A_318 = arith.constant 112 : index
    %get3A_319 = tpu.vector_load %arg7[%get3A_318] {strides = array<i32>} : memref<10240xi32, #tpu.memory_space<vmem>>, vector<16xi32>,
    %and3A_320 = arith.andi %get3A_319, %broadcast_in_dim3A_250 : vector<16xi32>
    %swap3A_321 = arith.constant 112 : index
    %swap3A_322 = tpu.vector_load %arg8[%swap3A_321] {strides = array<i32>} : memref<128xi32, #tpu.memory_space<vmem>>, vector<16xi32>,
    tpu.vector_store %arg8[%swap3A_321], %and3A_320 {strides = array<i32>} : memref<128xi32, #tpu.memory_space<vmem>>, vector<16xi32>,
    %shift_right_logical3A_323 = arith.constant 14 : i32
    %shift_right_logical3A_324 = vector.broadcast %shift_right_logical3A_323 : i32 to vector<16xi32>
    %shift_right_logical3A_325 = arith.shrui %get3A_319, %shift_right_logical3A_324 : vector<16xi32>
    %swap3A_326 = arith.constant 112 : index
    %swap3A_327 = tpu.vector_load %arg12[%swap3A_326] {strides = array<i32>} : memref<128xi32, #tpu.memory_space<vmem>>, vector<16xi32>,
    tpu.vector_store %arg12[%swap3A_326], %shift_right_logical3A_325 {strides = array<i32>} : memref<128xi32, #tpu.memory_space<vmem>>, vector<16xi32>,
    %dma_start3A_328 = arith.constant 0 : i32
    %dma_start3A_329 = arith.constant 0 : i32
    %dma_start3A_330 = tpu.memref_slice %arg2[%dma_start3A_328, %dma_start3A_329] : memref<10000x128xbf16, #tpu.memory_space<hbm>> -> memref<10000x128xbf16, #tpu.memory_space<hbm>>
    tpu.enqueue_indirect_dma source(%dma_start3A_330 : memref<10000x128xbf16, #tpu.memory_space<hbm>>) target(%arg16 : memref<128x128xbf16, #tpu.memory_space<vmem>>) offsets(%arg8 : memref<128xi32, #tpu.memory_space<vmem>>) semaphore(%arg22 : memref<!tpu.dma_semaphore, #tpu.memory_space<semaphore_mem>>)
    %get3A_331 = arith.constant 128 : index
    %get3A_332 = tpu.vector_load %arg7[%get3A_331] {strides = array<i32>} : memref<10240xi32, #tpu.memory_space<vmem>>, vector<16xi32>,
    %and3A_333 = arith.andi %get3A_332, %broadcast_in_dim3A_250 : vector<16xi32>
    %swap3A_334 = arith.constant 0 : index
    %swap3A_335 = tpu.vector_load %arg9[%swap3A_334] {strides = array<i32>} : memref<128xi32, #tpu.memory_space<vmem>>, vector<16xi32>,
    tpu.vector_store %arg9[%swap3A_334], %and3A_333 {strides = array<i32>} : memref<128xi32, #tpu.memory_space<vmem>>, vector<16xi32>,
    %shift_right_logical3A_336 = arith.constant 14 : i32
    %shift_right_logical3A_337 = vector.broadcast %shift_right_logical3A_336 : i32 to vector<16xi32>
    %shift_right_logical3A_338 = arith.shrui %get3A_332, %shift_right_logical3A_337 : vector<16xi32>
    %swap3A_339 = arith.constant 0 : index
    %swap3A_340 = tpu.vector_load %arg13[%swap3A_339] {strides = array<i32>} : memref<128xi32, #tpu.memory_space<vmem>>, vector<16xi32>,
    tpu.vector_store %arg13[%swap3A_339], %shift_right_logical3A_338 {strides = array<i32>} : memref<128xi32, #tpu.memory_space<vmem>>, vector<16xi32>,
    %get3A_341 = arith.constant 144 : index
    %get3A_342 = tpu.vector_load %arg7[%get3A_341] {strides = array<i32>} : memref<10240xi32, #tpu.memory_space<vmem>>, vector<16xi32>,
    %and3A_343 = arith.andi %get3A_342, %broadcast_in_dim3A_250 : vector<16xi32>
    %swap3A_344 = arith.constant 16 : index
    %swap3A_345 = tpu.vector_load %arg9[%swap3A_344] {strides = array<i32>} : memref<128xi32, #tpu.memory_space<vmem>>, vector<16xi32>,
    tpu.vector_store %arg9[%swap3A_344], %and3A_343 {strides = array<i32>} : memref<128xi32, #tpu.memory_space<vmem>>, vector<16xi32>,
    %shift_right_logical3A_346 = arith.constant 14 : i32
    %shift_right_logical3A_347 = vector.broadcast %shift_right_logical3A_346 : i32 to vector<16xi32>
    %shift_right_logical3A_348 = arith.shrui %get3A_342, %shift_right_logical3A_347 : vector<16xi32>
    %swap3A_349 = arith.constant 16 : index
    %swap3A_350 = tpu.vector_load %arg13[%swap3A_349] {strides = array<i32>} : memref<128xi32, #tpu.memory_space<vmem>>, vector<16xi32>,
    tpu.vector_store %arg13[%swap3A_349], %shift_right_logical3A_348 {strides = array<i32>} : memref<128xi32, #tpu.memory_space<vmem>>, vector<16xi32>,
    %get3A_351 = arith.constant 160 : index
    %get3A_352 = tpu.vector_load %arg7[%get3A_351] {strides = array<i32>} : memref<10240xi32, #tpu.memory_space<vmem>>, vector<16xi32>,
    %and3A_353 = arith.andi %get3A_352, %broadcast_in_dim3A_250 : vector<16xi32>
    %swap3A_354 = arith.constant 32 : index
    %swap3A_355 = tpu.vector_load %arg9[%swap3A_354] {strides = array<i32>} : memref<128xi32, #tpu.memory_space<vmem>>, vector<16xi32>,
    tpu.vector_store %arg9[%swap3A_354], %and3A_353 {strides = array<i32>} : memref<128xi32, #tpu.memory_space<vmem>>, vector<16xi32>,
    %shift_right_logical3A_356 = arith.constant 14 : i32
    %shift_right_logical3A_357 = vector.broadcast %shift_right_logical3A_356 : i32 to vector<16xi32>
    %shift_right_logical3A_358 = arith.shrui %get3A_352, %shift_right_logical3A_357 : vector<16xi32>
    %swap3A_359 = arith.constant 32 : index
    %swap3A_360 = tpu.vector_load %arg13[%swap3A_359] {strides = array<i32>} : memref<128xi32, #tpu.memory_space<vmem>>, vector<16xi32>,
    tpu.vector_store %arg13[%swap3A_359], %shift_right_logical3A_358 {strides = array<i32>} : memref<128xi32, #tpu.memory_space<vmem>>, vector<16xi32>,
    %get3A_361 = arith.constant 176 : index
    %get3A_362 = tpu.vector_load %arg7[%get3A_361] {strides = array<i32>} : memref<10240xi32, #tpu.memory_space<vmem>>, vector<16xi32>,
    %and3A_363 = arith.andi %get3A_362, %broadcast_in_dim3A_250 : vector<16xi32>
    %swap3A_364 = arith.constant 48 : index
    %swap3A_365 = tpu.vector_load %arg9[%swap3A_364] {strides = array<i32>} : memref<128xi32, #tpu.memory_space<vmem>>, vector<16xi32>,
    tpu.vector_store %arg9[%swap3A_364], %and3A_363 {strides = array<i32>} : memref<128xi32, #tpu.memory_space<vmem>>, vector<16xi32>,
    %shift_right_logical3A_366 = arith.constant 14 : i32
    %shift_right_logical3A_367 = vector.broadcast %shift_right_logical3A_366 : i32 to vector<16xi32>
    %shift_right_logical3A_368 = arith.shrui %get3A_362, %shift_right_logical3A_367 : vector<16xi32>
    %swap3A_369 = arith.constant 48 : index
    %swap3A_370 = tpu.vector_load %arg13[%swap3A_369] {strides = array<i32>} : memref<128xi32, #tpu.memory_space<vmem>>, vector<16xi32>,
    tpu.vector_store %arg13[%swap3A_369], %shift_right_logical3A_368 {strides = array<i32>} : memref<128xi32, #tpu.memory_space<vmem>>, vector<16xi32>,
    %get3A_371 = arith.constant 192 : index
    %get3A_372 = tpu.vector_load %arg7[%get3A_371] {strides = array<i32>} : memref<10240xi32, #tpu.memory_space<vmem>>, vector<16xi32>,
    %and3A_373 = arith.andi %get3A_372, %broadcast_in_dim3A_250 : vector<16xi32>
    %swap3A_374 = arith.constant 64 : index
    %swap3A_375 = tpu.vector_load %arg9[%swap3A_374] {strides = array<i32>} : memref<128xi32, #tpu.memory_space<vmem>>, vector<16xi32>,
    tpu.vector_store %arg9[%swap3A_374], %and3A_373 {strides = array<i32>} : memref<128xi32, #tpu.memory_space<vmem>>, vector<16xi32>,
    %shift_right_logical3A_376 = arith.constant 14 : i32
    %shift_right_logical3A_377 = vector.broadcast %shift_right_logical3A_376 : i32 to vector<16xi32>
    %shift_right_logical3A_378 = arith.shrui %get3A_372, %shift_right_logical3A_377 : vector<16xi32>
    %swap3A_379 = arith.constant 64 : index
    %swap3A_380 = tpu.vector_load %arg13[%swap3A_379] {strides = array<i32>} : memref<128xi32, #tpu.memory_space<vmem>>, vector<16xi32>,
    tpu.vector_store %arg13[%swap3A_379], %shift_right_logical3A_378 {strides = array<i32>} : memref<128xi32, #tpu.memory_space<vmem>>, vector<16xi32>,
    %get3A_381 = arith.constant 208 : index
    %get3A_382 = tpu.vector_load %arg7[%get3A_381] {strides = array<i32>} : memref<10240xi32, #tpu.memory_space<vmem>>, vector<16xi32>,
    %and3A_383 = arith.andi %get3A_382, %broadcast_in_dim3A_250 : vector<16xi32>
    %swap3A_384 = arith.constant 80 : index
    %swap3A_385 = tpu.vector_load %arg9[%swap3A_384] {strides = array<i32>} : memref<128xi32, #tpu.memory_space<vmem>>, vector<16xi32>,
    tpu.vector_store %arg9[%swap3A_384], %and3A_383 {strides = array<i32>} : memref<128xi32, #tpu.memory_space<vmem>>, vector<16xi32>,
    %shift_right_logical3A_386 = arith.constant 14 : i32
    %shift_right_logical3A_387 = vector.broadcast %shift_right_logical3A_386 : i32 to vector<16xi32>
    %shift_right_logical3A_388 = arith.shrui %get3A_382, %shift_right_logical3A_387 : vector<16xi32>
    %swap3A_389 = arith.constant 80 : index
    %swap3A_390 = tpu.vector_load %arg13[%swap3A_389] {strides = array<i32>} : memref<128xi32, #tpu.memory_space<vmem>>, vector<16xi32>,
    tpu.vector_store %arg13[%swap3A_389], %shift_right_logical3A_388 {strides = array<i32>} : memref<128xi32, #tpu.memory_space<vmem>>, vector<16xi32>,
    %get3A_391 = arith.constant 224 : index
    %get3A_392 = tpu.vector_load %arg7[%get3A_391] {strides = array<i32>} : memref<10240xi32, #tpu.memory_space<vmem>>, vector<16xi32>,
    %and3A_393 = arith.andi %get3A_392, %broadcast_in_dim3A_250 : vector<16xi32>
    %swap3A_394 = arith.constant 96 : index
    %swap3A_395 = tpu.vector_load %arg9[%swap3A_394] {strides = array<i32>} : memref<128xi32, #tpu.memory_space<vmem>>, vector<16xi32>,
    tpu.vector_store %arg9[%swap3A_394], %and3A_393 {strides = array<i32>} : memref<128xi32, #tpu.memory_space<vmem>>, vector<16xi32>,
    %shift_right_logical3A_396 = arith.constant 14 : i32
    %shift_right_logical3A_397 = vector.broadcast %shift_right_logical3A_396 : i32 to vector<16xi32>
    %shift_right_logical3A_398 = arith.shrui %get3A_392, %shift_right_logical3A_397 : vector<16xi32>
    %swap3A_399 = arith.constant 96 : index
    %swap3A_400 = tpu.vector_load %arg13[%swap3A_399] {strides = array<i32>} : memref<128xi32, #tpu.memory_space<vmem>>, vector<16xi32>,
    tpu.vector_store %arg13[%swap3A_399], %shift_right_logical3A_398 {strides = array<i32>} : memref<128xi32, #tpu.memory_space<vmem>>, vector<16xi32>,
    %get3A_401 = arith.constant 240 : index
    %get3A_402 = tpu.vector_load %arg7[%get3A_401] {strides = array<i32>} : memref<10240xi32, #tpu.memory_space<vmem>>, vector<16xi32>,
    %and3A_403 = arith.andi %get3A_402, %broadcast_in_dim3A_250 : vector<16xi32>
    %swap3A_404 = arith.constant 112 : index
    %swap3A_405 = tpu.vector_load %arg9[%swap3A_404] {strides = array<i32>} : memref<128xi32, #tpu.memory_space<vmem>>, vector<16xi32>,
    tpu.vector_store %arg9[%swap3A_404], %and3A_403 {strides = array<i32>} : memref<128xi32, #tpu.memory_space<vmem>>, vector<16xi32>,
    %shift_right_logical3A_406 = arith.constant 14 : i32
    %shift_right_logical3A_407 = vector.broadcast %shift_right_logical3A_406 : i32 to vector<16xi32>
    %shift_right_logical3A_408 = arith.shrui %get3A_402, %shift_right_logical3A_407 : vector<16xi32>
    %swap3A_409 = arith.constant 112 : index
    %swap3A_410 = tpu.vector_load %arg13[%swap3A_409] {strides = array<i32>} : memref<128xi32, #tpu.memory_space<vmem>>, vector<16xi32>,
    tpu.vector_store %arg13[%swap3A_409], %shift_right_logical3A_408 {strides = array<i32>} : memref<128xi32, #tpu.memory_space<vmem>>, vector<16xi32>,
    %dma_start3A_411 = arith.constant 0 : i32
    %dma_start3A_412 = arith.constant 0 : i32
    %dma_start3A_413 = tpu.memref_slice %arg2[%dma_start3A_411, %dma_start3A_412] : memref<10000x128xbf16, #tpu.memory_space<hbm>> -> memref<10000x128xbf16, #tpu.memory_space<hbm>>
    tpu.enqueue_indirect_dma source(%dma_start3A_413 : memref<10000x128xbf16, #tpu.memory_space<hbm>>) target(%arg17 : memref<128x128xbf16, #tpu.memory_space<vmem>>) offsets(%arg9 : memref<128xi32, #tpu.memory_space<vmem>>) semaphore(%arg23 : memref<!tpu.dma_semaphore, #tpu.memory_space<semaphore_mem>>)
    %scan3A_414 = arith.constant 0 : i32
    %scan3A_415 = arith.constant 0 : i32
    %scan3A_416 = arith.constant 20 : i32
    %scan3A_417 = arith.addi %scan3A_415, %scan3A_416 : i32
    %scan3A_418 = arith.constant 1 : i32
    scf.for %scan3A_431 = %scan3A_415 to %scan3A_417 step %scan3A_418  : i32 {
      %mul3A_432 = arith.constant 4 : i32
      %mul3A_433 = arith.muli %mul3A_432, %scan3A_431 : i32
      %dma_wait3A_434 = arith.constant 0 : i32
      %dma_wait3A_435 = arith.constant 0 : i32
      %dma_wait3A_436 = tpu.memref_slice %arg2[%dma_wait3A_434, %dma_wait3A_435] : memref<10000x128xbf16, #tpu.memory_space<hbm>> -> memref<10000x128xbf16, #tpu.memory_space<hbm>>
      tpu.wait_indirect_dma semaphore(%arg22 : memref<!tpu.dma_semaphore, #tpu.memory_space<semaphore_mem>>) src(%dma_wait3A_436 : memref<10000x128xbf16, #tpu.memory_space<hbm>>) dst(%arg16 : memref<128x128xbf16, #tpu.memory_space<vmem>>)
      %get3A_437 = arith.constant 0 : index
      %get3A_438 = tpu.vector_load %arg12[%get3A_437] {strides = array<i32>} : memref<128xi32, #tpu.memory_space<vmem>>, vector<16xi32>,
      tpu.vector_store_idx %arg20[%get3A_438], %broadcast_in_dim3A_248 {add = true} : memref<10240xf32, #tpu.memory_space<vmem>>[vector<16xi32>], vector<16xf32>,
      %get3A_439 = arith.constant 16 : index
      %get3A_440 = tpu.vector_load %arg12[%get3A_439] {strides = array<i32>} : memref<128xi32, #tpu.memory_space<vmem>>, vector<16xi32>,
      tpu.vector_store_idx %arg20[%get3A_440], %broadcast_in_dim3A_248 {add = true} : memref<10240xf32, #tpu.memory_space<vmem>>[vector<16xi32>], vector<16xf32>,
      %get3A_441 = arith.constant 32 : index
      %get3A_442 = tpu.vector_load %arg12[%get3A_441] {strides = array<i32>} : memref<128xi32, #tpu.memory_space<vmem>>, vector<16xi32>,
      tpu.vector_store_idx %arg20[%get3A_442], %broadcast_in_dim3A_248 {add = true} : memref<10240xf32, #tpu.memory_space<vmem>>[vector<16xi32>], vector<16xf32>,
      %get3A_443 = arith.constant 48 : index
      %get3A_444 = tpu.vector_load %arg12[%get3A_443] {strides = array<i32>} : memref<128xi32, #tpu.memory_space<vmem>>, vector<16xi32>,
      tpu.vector_store_idx %arg20[%get3A_444], %broadcast_in_dim3A_248 {add = true} : memref<10240xf32, #tpu.memory_space<vmem>>[vector<16xi32>], vector<16xf32>,
      %get3A_445 = arith.constant 64 : index
      %get3A_446 = tpu.vector_load %arg12[%get3A_445] {strides = array<i32>} : memref<128xi32, #tpu.memory_space<vmem>>, vector<16xi32>,
      tpu.vector_store_idx %arg20[%get3A_446], %broadcast_in_dim3A_248 {add = true} : memref<10240xf32, #tpu.memory_space<vmem>>[vector<16xi32>], vector<16xf32>,
      %get3A_447 = arith.constant 80 : index
      %get3A_448 = tpu.vector_load %arg12[%get3A_447] {strides = array<i32>} : memref<128xi32, #tpu.memory_space<vmem>>, vector<16xi32>,
      tpu.vector_store_idx %arg20[%get3A_448], %broadcast_in_dim3A_248 {add = true} : memref<10240xf32, #tpu.memory_space<vmem>>[vector<16xi32>], vector<16xf32>,
      %get3A_449 = arith.constant 96 : index
      %get3A_450 = tpu.vector_load %arg12[%get3A_449] {strides = array<i32>} : memref<128xi32, #tpu.memory_space<vmem>>, vector<16xi32>,
      tpu.vector_store_idx %arg20[%get3A_450], %broadcast_in_dim3A_248 {add = true} : memref<10240xf32, #tpu.memory_space<vmem>>[vector<16xi32>], vector<16xf32>,
      %get3A_451 = arith.constant 112 : index
      %get3A_452 = tpu.vector_load %arg12[%get3A_451] {strides = array<i32>} : memref<128xi32, #tpu.memory_space<vmem>>, vector<16xi32>,
      tpu.vector_store_idx %arg20[%get3A_452], %broadcast_in_dim3A_248 {add = true} : memref<10240xf32, #tpu.memory_space<vmem>>[vector<16xi32>], vector<16xf32>,
      %ge3A = arith.constant 2 : i32
      %ge3A_453 = arith.cmpi sge, %mul3A_433, %ge3A : i32
      %convert_element_type3A = arith.extui %ge3A_453 : i1 to i32
      %cond3A = arith.constant 0 : i32
      %cond3A_454 = arith.cmpi ne, %convert_element_type3A, %cond3A : i32
      scf.if %cond3A_454 {
        %dma_wait3A_572 = arith.constant 0 : i32
        %dma_wait3A_573 = arith.constant 0 : i32
        %dma_wait3A_574 = tpu.memref_slice %arg21[%dma_wait3A_572, %dma_wait3A_573] : memref<10240x128xbf16, #tpu.memory_space<vmem_shared>> -> memref<10240x128xbf16, #tpu.memory_space<vmem_shared>>
        tpu.wait_indirect_dma semaphore(%arg26 : memref<!tpu.dma_semaphore, #tpu.memory_space<semaphore_mem>>) src(%arg18 : memref<128x128xbf16, #tpu.memory_space<vmem>>) dst(%dma_wait3A_574 : memref<10240x128xbf16, #tpu.memory_space<vmem_shared>>)
      } else {
      }
      %dma_start3A_455 = arith.constant 0 : i32
      %dma_start3A_456 = arith.constant 0 : i32
      %dma_start3A_457 = tpu.memref_slice %arg21[%dma_start3A_455, %dma_start3A_456] : memref<10240x128xbf16, #tpu.memory_space<vmem_shared>> -> memref<10240x128xbf16, #tpu.memory_space<vmem_shared>>
      tpu.enqueue_indirect_dma source(%arg16 : memref<128x128xbf16, #tpu.memory_space<vmem>>) target(%dma_start3A_457 : memref<10240x128xbf16, #tpu.memory_space<vmem_shared>>) offsets(%arg12 : memref<128xi32, #tpu.memory_space<vmem>>) semaphore(%arg26 : memref<!tpu.dma_semaphore, #tpu.memory_space<semaphore_mem>>) {add = true}
      %add3A_458 = arith.constant 2 : i32
      %add3A_459 = arith.addi %mul3A_433, %add3A_458 : i32
      %lt3A = arith.constant 80 : i32
      %lt3A_460 = arith.cmpi slt, %add3A_459, %lt3A : i32
      %convert_element_type3A_461 = arith.extui %lt3A_460 : i1 to i32
      %cond3A_462 = arith.constant 0 : i32
      %cond3A_463 = arith.cmpi ne, %convert_element_type3A_461, %cond3A_462 : i32
      scf.if %cond3A_463 {
        %add3A_572 = arith.constant 2 : i32
        %add3A_573 = arith.addi %mul3A_433, %add3A_572 : i32
        %mul3A_574 = arith.constant 128 : i32
        %mul3A_575 = arith.muli %add3A_573, %mul3A_574 : i32
        %add3A_576 = arith.constant 0 : i32
        %add3A_577 = arith.addi %mul3A_575, %add3A_576 : i32
        %get3A_578 = arith.index_cast %add3A_577 : i32 to index
        %get3A_579 = tpu.vector_load %arg7[%get3A_578] {strides = array<i32>} : memref<10240xi32, #tpu.memory_space<vmem>>, vector<16xi32>,
        %and3A_580 = arith.andi %get3A_579, %broadcast_in_dim3A_250 : vector<16xi32>
        %swap3A_581 = arith.constant 0 : index
        %swap3A_582 = tpu.vector_load %arg10[%swap3A_581] {strides = array<i32>} : memref<128xi32, #tpu.memory_space<vmem>>, vector<16xi32>,
        tpu.vector_store %arg10[%swap3A_581], %and3A_580 {strides = array<i32>} : memref<128xi32, #tpu.memory_space<vmem>>, vector<16xi32>,
        %shift_right_logical3A_583 = arith.constant 14 : i32
        %shift_right_logical3A_584 = vector.broadcast %shift_right_logical3A_583 : i32 to vector<16xi32>
        %shift_right_logical3A_585 = arith.shrui %get3A_579, %shift_right_logical3A_584 : vector<16xi32>
        %swap3A_586 = arith.constant 0 : index
        %swap3A_587 = tpu.vector_load %arg14[%swap3A_586] {strides = array<i32>} : memref<128xi32, #tpu.memory_space<vmem>>, vector<16xi32>,
        tpu.vector_store %arg14[%swap3A_586], %shift_right_logical3A_585 {strides = array<i32>} : memref<128xi32, #tpu.memory_space<vmem>>, vector<16xi32>,
        %mul3A_588 = arith.constant 128 : i32
        %mul3A_589 = arith.muli %add3A_573, %mul3A_588 : i32
        %add3A_590 = arith.constant 16 : i32
        %add3A_591 = arith.addi %mul3A_589, %add3A_590 : i32
        %get3A_592 = arith.index_cast %add3A_591 : i32 to index
        %get3A_593 = tpu.vector_load %arg7[%get3A_592] {strides = array<i32>} : memref<10240xi32, #tpu.memory_space<vmem>>, vector<16xi32>,
        %and3A_594 = arith.andi %get3A_593, %broadcast_in_dim3A_250 : vector<16xi32>
        %swap3A_595 = arith.constant 16 : index
        %swap3A_596 = tpu.vector_load %arg10[%swap3A_595] {strides = array<i32>} : memref<128xi32, #tpu.memory_space<vmem>>, vector<16xi32>,
        tpu.vector_store %arg10[%swap3A_595], %and3A_594 {strides = array<i32>} : memref<128xi32, #tpu.memory_space<vmem>>, vector<16xi32>,
        %shift_right_logical3A_597 = arith.constant 14 : i32
        %shift_right_logical3A_598 = vector.broadcast %shift_right_logical3A_597 : i32 to vector<16xi32>
        %shift_right_logical3A_599 = arith.shrui %get3A_593, %shift_right_logical3A_598 : vector<16xi32>
        %swap3A_600 = arith.constant 16 : index
        %swap3A_601 = tpu.vector_load %arg14[%swap3A_600] {strides = array<i32>} : memref<128xi32, #tpu.memory_space<vmem>>, vector<16xi32>,
        tpu.vector_store %arg14[%swap3A_600], %shift_right_logical3A_599 {strides = array<i32>} : memref<128xi32, #tpu.memory_space<vmem>>, vector<16xi32>,
        %mul3A_602 = arith.constant 128 : i32
        %mul3A_603 = arith.muli %add3A_573, %mul3A_602 : i32
        %add3A_604 = arith.constant 32 : i32
        %add3A_605 = arith.addi %mul3A_603, %add3A_604 : i32
        %get3A_606 = arith.index_cast %add3A_605 : i32 to index
        %get3A_607 = tpu.vector_load %arg7[%get3A_606] {strides = array<i32>} : memref<10240xi32, #tpu.memory_space<vmem>>, vector<16xi32>,
        %and3A_608 = arith.andi %get3A_607, %broadcast_in_dim3A_250 : vector<16xi32>
        %swap3A_609 = arith.constant 32 : index
        %swap3A_610 = tpu.vector_load %arg10[%swap3A_609] {strides = array<i32>} : memref<128xi32, #tpu.memory_space<vmem>>, vector<16xi32>,
        tpu.vector_store %arg10[%swap3A_609], %and3A_608 {strides = array<i32>} : memref<128xi32, #tpu.memory_space<vmem>>, vector<16xi32>,
        %shift_right_logical3A_611 = arith.constant 14 : i32
        %shift_right_logical3A_612 = vector.broadcast %shift_right_logical3A_611 : i32 to vector<16xi32>
        %shift_right_logical3A_613 = arith.shrui %get3A_607, %shift_right_logical3A_612 : vector<16xi32>
        %swap3A_614 = arith.constant 32 : index
        %swap3A_615 = tpu.vector_load %arg14[%swap3A_614] {strides = array<i32>} : memref<128xi32, #tpu.memory_space<vmem>>, vector<16xi32>,
        tpu.vector_store %arg14[%swap3A_614], %shift_right_logical3A_613 {strides = array<i32>} : memref<128xi32, #tpu.memory_space<vmem>>, vector<16xi32>,
        %mul3A_616 = arith.constant 128 : i32
        %mul3A_617 = arith.muli %add3A_573, %mul3A_616 : i32
        %add3A_618 = arith.constant 48 : i32
        %add3A_619 = arith.addi %mul3A_617, %add3A_618 : i32
        %get3A_620 = arith.index_cast %add3A_619 : i32 to index
        %get3A_621 = tpu.vector_load %arg7[%get3A_620] {strides = array<i32>} : memref<10240xi32, #tpu.memory_space<vmem>>, vector<16xi32>,
        %and3A_622 = arith.andi %get3A_621, %broadcast_in_dim3A_250 : vector<16xi32>
        %swap3A_623 = arith.constant 48 : index
        %swap3A_624 = tpu.vector_load %arg10[%swap3A_623] {strides = array<i32>} : memref<128xi32, #tpu.memory_space<vmem>>, vector<16xi32>,
        tpu.vector_store %arg10[%swap3A_623], %and3A_622 {strides = array<i32>} : memref<128xi32, #tpu.memory_space<vmem>>, vector<16xi32>,
        %shift_right_logical3A_625 = arith.constant 14 : i32
        %shift_right_logical3A_626 = vector.broadcast %shift_right_logical3A_625 : i32 to vector<16xi32>
        %shift_right_logical3A_627 = arith.shrui %get3A_621, %shift_right_logical3A_626 : vector<16xi32>
        %swap3A_628 = arith.constant 48 : index
        %swap3A_629 = tpu.vector_load %arg14[%swap3A_628] {strides = array<i32>} : memref<128xi32, #tpu.memory_space<vmem>>, vector<16xi32>,
        tpu.vector_store %arg14[%swap3A_628], %shift_right_logical3A_627 {strides = array<i32>} : memref<128xi32, #tpu.memory_space<vmem>>, vector<16xi32>,
        %mul3A_630 = arith.constant 128 : i32
        %mul3A_631 = arith.muli %add3A_573, %mul3A_630 : i32
        %add3A_632 = arith.constant 64 : i32
        %add3A_633 = arith.addi %mul3A_631, %add3A_632 : i32
        %get3A_634 = arith.index_cast %add3A_633 : i32 to index
        %get3A_635 = tpu.vector_load %arg7[%get3A_634] {strides = array<i32>} : memref<10240xi32, #tpu.memory_space<vmem>>, vector<16xi32>,
        %and3A_636 = arith.andi %get3A_635, %broadcast_in_dim3A_250 : vector<16xi32>
        %swap3A_637 = arith.constant 64 : index
        %swap3A_638 = tpu.vector_load %arg10[%swap3A_637] {strides = array<i32>} : memref<128xi32, #tpu.memory_space<vmem>>, vector<16xi32>,
        tpu.vector_store %arg10[%swap3A_637], %and3A_636 {strides = array<i32>} : memref<128xi32, #tpu.memory_space<vmem>>, vector<16xi32>,
        %shift_right_logical3A_639 = arith.constant 14 : i32
        %shift_right_logical3A_640 = vector.broadcast %shift_right_logical3A_639 : i32 to vector<16xi32>
        %shift_right_logical3A_641 = arith.shrui %get3A_635, %shift_right_logical3A_640 : vector<16xi32>
        %swap3A_642 = arith.constant 64 : index
        %swap3A_643 = tpu.vector_load %arg14[%swap3A_642] {strides = array<i32>} : memref<128xi32, #tpu.memory_space<vmem>>, vector<16xi32>,
        tpu.vector_store %arg14[%swap3A_642], %shift_right_logical3A_641 {strides = array<i32>} : memref<128xi32, #tpu.memory_space<vmem>>, vector<16xi32>,
        %mul3A_644 = arith.constant 128 : i32
        %mul3A_645 = arith.muli %add3A_573, %mul3A_644 : i32
        %add3A_646 = arith.constant 80 : i32
        %add3A_647 = arith.addi %mul3A_645, %add3A_646 : i32
        %get3A_648 = arith.index_cast %add3A_647 : i32 to index
        %get3A_649 = tpu.vector_load %arg7[%get3A_648] {strides = array<i32>} : memref<10240xi32, #tpu.memory_space<vmem>>, vector<16xi32>,
        %and3A_650 = arith.andi %get3A_649, %broadcast_in_dim3A_250 : vector<16xi32>
        %swap3A_651 = arith.constant 80 : index
        %swap3A_652 = tpu.vector_load %arg10[%swap3A_651] {strides = array<i32>} : memref<128xi32, #tpu.memory_space<vmem>>, vector<16xi32>,
        tpu.vector_store %arg10[%swap3A_651], %and3A_650 {strides = array<i32>} : memref<128xi32, #tpu.memory_space<vmem>>, vector<16xi32>,
        %shift_right_logical3A_653 = arith.constant 14 : i32
        %shift_right_logical3A_654 = vector.broadcast %shift_right_logical3A_653 : i32 to vector<16xi32>
        %shift_right_logical3A_655 = arith.shrui %get3A_649, %shift_right_logical3A_654 : vector<16xi32>
        %swap3A_656 = arith.constant 80 : index
        %swap3A_657 = tpu.vector_load %arg14[%swap3A_656] {strides = array<i32>} : memref<128xi32, #tpu.memory_space<vmem>>, vector<16xi32>,
        tpu.vector_store %arg14[%swap3A_656], %shift_right_logical3A_655 {strides = array<i32>} : memref<128xi32, #tpu.memory_space<vmem>>, vector<16xi32>,
        %mul3A_658 = arith.constant 128 : i32
        %mul3A_659 = arith.muli %add3A_573, %mul3A_658 : i32
        %add3A_660 = arith.constant 96 : i32
        %add3A_661 = arith.addi %mul3A_659, %add3A_660 : i32
        %get3A_662 = arith.index_cast %add3A_661 : i32 to index
        %get3A_663 = tpu.vector_load %arg7[%get3A_662] {strides = array<i32>} : memref<10240xi32, #tpu.memory_space<vmem>>, vector<16xi32>,
        %and3A_664 = arith.andi %get3A_663, %broadcast_in_dim3A_250 : vector<16xi32>
        %swap3A_665 = arith.constant 96 : index
        %swap3A_666 = tpu.vector_load %arg10[%swap3A_665] {strides = array<i32>} : memref<128xi32, #tpu.memory_space<vmem>>, vector<16xi32>,
        tpu.vector_store %arg10[%swap3A_665], %and3A_664 {strides = array<i32>} : memref<128xi32, #tpu.memory_space<vmem>>, vector<16xi32>,
        %shift_right_logical3A_667 = arith.constant 14 : i32
        %shift_right_logical3A_668 = vector.broadcast %shift_right_logical3A_667 : i32 to vector<16xi32>
        %shift_right_logical3A_669 = arith.shrui %get3A_663, %shift_right_logical3A_668 : vector<16xi32>
        %swap3A_670 = arith.constant 96 : index
        %swap3A_671 = tpu.vector_load %arg14[%swap3A_670] {strides = array<i32>} : memref<128xi32, #tpu.memory_space<vmem>>, vector<16xi32>,
        tpu.vector_store %arg14[%swap3A_670], %shift_right_logical3A_669 {strides = array<i32>} : memref<128xi32, #tpu.memory_space<vmem>>, vector<16xi32>,
        %mul3A_672 = arith.constant 128 : i32
        %mul3A_673 = arith.muli %add3A_573, %mul3A_672 : i32
        %add3A_674 = arith.constant 112 : i32
        %add3A_675 = arith.addi %mul3A_673, %add3A_674 : i32
        %get3A_676 = arith.index_cast %add3A_675 : i32 to index
        %get3A_677 = tpu.vector_load %arg7[%get3A_676] {strides = array<i32>} : memref<10240xi32, #tpu.memory_space<vmem>>, vector<16xi32>,
        %and3A_678 = arith.andi %get3A_677, %broadcast_in_dim3A_250 : vector<16xi32>
        %swap3A_679 = arith.constant 112 : index
        %swap3A_680 = tpu.vector_load %arg10[%swap3A_679] {strides = array<i32>} : memref<128xi32, #tpu.memory_space<vmem>>, vector<16xi32>,
        tpu.vector_store %arg10[%swap3A_679], %and3A_678 {strides = array<i32>} : memref<128xi32, #tpu.memory_space<vmem>>, vector<16xi32>,
        %shift_right_logical3A_681 = arith.constant 14 : i32
        %shift_right_logical3A_682 = vector.broadcast %shift_right_logical3A_681 : i32 to vector<16xi32>
        %shift_right_logical3A_683 = arith.shrui %get3A_677, %shift_right_logical3A_682 : vector<16xi32>
        %swap3A_684 = arith.constant 112 : index
        %swap3A_685 = tpu.vector_load %arg14[%swap3A_684] {strides = array<i32>} : memref<128xi32, #tpu.memory_space<vmem>>, vector<16xi32>,
        tpu.vector_store %arg14[%swap3A_684], %shift_right_logical3A_683 {strides = array<i32>} : memref<128xi32, #tpu.memory_space<vmem>>, vector<16xi32>,
        %dma_start3A_686 = arith.constant 0 : i32
        %dma_start3A_687 = arith.constant 0 : i32
        %dma_start3A_688 = tpu.memref_slice %arg2[%dma_start3A_686, %dma_start3A_687] : memref<10000x128xbf16, #tpu.memory_space<hbm>> -> memref<10000x128xbf16, #tpu.memory_space<hbm>>
        tpu.enqueue_indirect_dma source(%dma_start3A_688 : memref<10000x128xbf16, #tpu.memory_space<hbm>>) target(%arg18 : memref<128x128xbf16, #tpu.memory_space<vmem>>) offsets(%arg10 : memref<128xi32, #tpu.memory_space<vmem>>) semaphore(%arg24 : memref<!tpu.dma_semaphore, #tpu.memory_space<semaphore_mem>>)
      } else {
      }
      %add3A_464 = arith.constant 1 : i32
      %add3A_465 = arith.addi %mul3A_433, %add3A_464 : i32
      %dma_wait3A_466 = arith.constant 0 : i32
      %dma_wait3A_467 = arith.constant 0 : i32
      %dma_wait3A_468 = tpu.memref_slice %arg2[%dma_wait3A_466, %dma_wait3A_467] : memref<10000x128xbf16, #tpu.memory_space<hbm>> -> memref<10000x128xbf16, #tpu.memory_space<hbm>>
      tpu.wait_indirect_dma semaphore(%arg23 : memref<!tpu.dma_semaphore, #tpu.memory_space<semaphore_mem>>) src(%dma_wait3A_468 : memref<10000x128xbf16, #tpu.memory_space<hbm>>) dst(%arg17 : memref<128x128xbf16, #tpu.memory_space<vmem>>)
      %get3A_469 = arith.constant 0 : index
      %get3A_470 = tpu.vector_load %arg13[%get3A_469] {strides = array<i32>} : memref<128xi32, #tpu.memory_space<vmem>>, vector<16xi32>,
      tpu.vector_store_idx %arg20[%get3A_470], %broadcast_in_dim3A_248 {add = true} : memref<10240xf32, #tpu.memory_space<vmem>>[vector<16xi32>], vector<16xf32>,
      %get3A_471 = arith.constant 16 : index
      %get3A_472 = tpu.vector_load %arg13[%get3A_471] {strides = array<i32>} : memref<128xi32, #tpu.memory_space<vmem>>, vector<16xi32>,
      tpu.vector_store_idx %arg20[%get3A_472], %broadcast_in_dim3A_248 {add = true} : memref<10240xf32, #tpu.memory_space<vmem>>[vector<16xi32>], vector<16xf32>,
      %get3A_473 = arith.constant 32 : index
      %get3A_474 = tpu.vector_load %arg13[%get3A_473] {strides = array<i32>} : memref<128xi32, #tpu.memory_space<vmem>>, vector<16xi32>,
      tpu.vector_store_idx %arg20[%get3A_474], %broadcast_in_dim3A_248 {add = true} : memref<10240xf32, #tpu.memory_space<vmem>>[vector<16xi32>], vector<16xf32>,
      %get3A_475 = arith.constant 48 : index
      %get3A_476 = tpu.vector_load %arg13[%get3A_475] {strides = array<i32>} : memref<128xi32, #tpu.memory_space<vmem>>, vector<16xi32>,
      tpu.vector_store_idx %arg20[%get3A_476], %broadcast_in_dim3A_248 {add = true} : memref<10240xf32, #tpu.memory_space<vmem>>[vector<16xi32>], vector<16xf32>,
      %get3A_477 = arith.constant 64 : index
      %get3A_478 = tpu.vector_load %arg13[%get3A_477] {strides = array<i32>} : memref<128xi32, #tpu.memory_space<vmem>>, vector<16xi32>,
      tpu.vector_store_idx %arg20[%get3A_478], %broadcast_in_dim3A_248 {add = true} : memref<10240xf32, #tpu.memory_space<vmem>>[vector<16xi32>], vector<16xf32>,
      %get3A_479 = arith.constant 80 : index
      %get3A_480 = tpu.vector_load %arg13[%get3A_479] {strides = array<i32>} : memref<128xi32, #tpu.memory_space<vmem>>, vector<16xi32>,
      tpu.vector_store_idx %arg20[%get3A_480], %broadcast_in_dim3A_248 {add = true} : memref<10240xf32, #tpu.memory_space<vmem>>[vector<16xi32>], vector<16xf32>,
      %get3A_481 = arith.constant 96 : index
      %get3A_482 = tpu.vector_load %arg13[%get3A_481] {strides = array<i32>} : memref<128xi32, #tpu.memory_space<vmem>>, vector<16xi32>,
      tpu.vector_store_idx %arg20[%get3A_482], %broadcast_in_dim3A_248 {add = true} : memref<10240xf32, #tpu.memory_space<vmem>>[vector<16xi32>], vector<16xf32>,
      %get3A_483 = arith.constant 112 : index
      %get3A_484 = tpu.vector_load %arg13[%get3A_483] {strides = array<i32>} : memref<128xi32, #tpu.memory_space<vmem>>, vector<16xi32>,
      tpu.vector_store_idx %arg20[%get3A_484], %broadcast_in_dim3A_248 {add = true} : memref<10240xf32, #tpu.memory_space<vmem>>[vector<16xi32>], vector<16xf32>,
      %ge3A_485 = arith.constant 2 : i32
      %ge3A_486 = arith.cmpi sge, %add3A_465, %ge3A_485 : i32
      %convert_element_type3A_487 = arith.extui %ge3A_486 : i1 to i32
      %cond3A_488 = arith.constant 0 : i32
      %cond3A_489 = arith.cmpi ne, %convert_element_type3A_487, %cond3A_488 : i32
      scf.if %cond3A_489 {
        %dma_wait3A_572 = arith.constant 0 : i32
        %dma_wait3A_573 = arith.constant 0 : i32
        %dma_wait3A_574 = tpu.memref_slice %arg21[%dma_wait3A_572, %dma_wait3A_573] : memref<10240x128xbf16, #tpu.memory_space<vmem_shared>> -> memref<10240x128xbf16, #tpu.memory_space<vmem_shared>>
        tpu.wait_indirect_dma semaphore(%arg27 : memref<!tpu.dma_semaphore, #tpu.memory_space<semaphore_mem>>) src(%arg19 : memref<128x128xbf16, #tpu.memory_space<vmem>>) dst(%dma_wait3A_574 : memref<10240x128xbf16, #tpu.memory_space<vmem_shared>>)
      } else {
      }
      %dma_start3A_490 = arith.constant 0 : i32
      %dma_start3A_491 = arith.constant 0 : i32
      %dma_start3A_492 = tpu.memref_slice %arg21[%dma_start3A_490, %dma_start3A_491] : memref<10240x128xbf16, #tpu.memory_space<vmem_shared>> -> memref<10240x128xbf16, #tpu.memory_space<vmem_shared>>
      tpu.enqueue_indirect_dma source(%arg17 : memref<128x128xbf16, #tpu.memory_space<vmem>>) target(%dma_start3A_492 : memref<10240x128xbf16, #tpu.memory_space<vmem_shared>>) offsets(%arg13 : memref<128xi32, #tpu.memory_space<vmem>>) semaphore(%arg27 : memref<!tpu.dma_semaphore, #tpu.memory_space<semaphore_mem>>) {add = true}
      %add3A_493 = arith.constant 2 : i32
      %add3A_494 = arith.addi %add3A_465, %add3A_493 : i32
      %lt3A_495 = arith.constant 80 : i32
      %lt3A_496 = arith.cmpi slt, %add3A_494, %lt3A_495 : i32
      %convert_element_type3A_497 = arith.extui %lt3A_496 : i1 to i32
      %cond3A_498 = arith.constant 0 : i32
      %cond3A_499 = arith.cmpi ne, %convert_element_type3A_497, %cond3A_498 : i32
      scf.if %cond3A_499 {
        %add3A_572 = arith.constant 2 : i32
        %add3A_573 = arith.addi %add3A_465, %add3A_572 : i32
        %mul3A_574 = arith.constant 128 : i32
        %mul3A_575 = arith.muli %add3A_573, %mul3A_574 : i32
        %add3A_576 = arith.constant 0 : i32
        %add3A_577 = arith.addi %mul3A_575, %add3A_576 : i32
        %get3A_578 = arith.index_cast %add3A_577 : i32 to index
        %get3A_579 = tpu.vector_load %arg7[%get3A_578] {strides = array<i32>} : memref<10240xi32, #tpu.memory_space<vmem>>, vector<16xi32>,
        %and3A_580 = arith.andi %get3A_579, %broadcast_in_dim3A_250 : vector<16xi32>
        %swap3A_581 = arith.constant 0 : index
        %swap3A_582 = tpu.vector_load %arg11[%swap3A_581] {strides = array<i32>} : memref<128xi32, #tpu.memory_space<vmem>>, vector<16xi32>,
        tpu.vector_store %arg11[%swap3A_581], %and3A_580 {strides = array<i32>} : memref<128xi32, #tpu.memory_space<vmem>>, vector<16xi32>,
        %shift_right_logical3A_583 = arith.constant 14 : i32
        %shift_right_logical3A_584 = vector.broadcast %shift_right_logical3A_583 : i32 to vector<16xi32>
        %shift_right_logical3A_585 = arith.shrui %get3A_579, %shift_right_logical3A_584 : vector<16xi32>
        %swap3A_586 = arith.constant 0 : index
        %swap3A_587 = tpu.vector_load %arg15[%swap3A_586] {strides = array<i32>} : memref<128xi32, #tpu.memory_space<vmem>>, vector<16xi32>,
        tpu.vector_store %arg15[%swap3A_586], %shift_right_logical3A_585 {strides = array<i32>} : memref<128xi32, #tpu.memory_space<vmem>>, vector<16xi32>,
        %mul3A_588 = arith.constant 128 : i32
        %mul3A_589 = arith.muli %add3A_573, %mul3A_588 : i32
        %add3A_590 = arith.constant 16 : i32
        %add3A_591 = arith.addi %mul3A_589, %add3A_590 : i32
        %get3A_592 = arith.index_cast %add3A_591 : i32 to index
        %get3A_593 = tpu.vector_load %arg7[%get3A_592] {strides = array<i32>} : memref<10240xi32, #tpu.memory_space<vmem>>, vector<16xi32>,
        %and3A_594 = arith.andi %get3A_593, %broadcast_in_dim3A_250 : vector<16xi32>
        %swap3A_595 = arith.constant 16 : index
        %swap3A_596 = tpu.vector_load %arg11[%swap3A_595] {strides = array<i32>} : memref<128xi32, #tpu.memory_space<vmem>>, vector<16xi32>,
        tpu.vector_store %arg11[%swap3A_595], %and3A_594 {strides = array<i32>} : memref<128xi32, #tpu.memory_space<vmem>>, vector<16xi32>,
        %shift_right_logical3A_597 = arith.constant 14 : i32
        %shift_right_logical3A_598 = vector.broadcast %shift_right_logical3A_597 : i32 to vector<16xi32>
        %shift_right_logical3A_599 = arith.shrui %get3A_593, %shift_right_logical3A_598 : vector<16xi32>
        %swap3A_600 = arith.constant 16 : index
        %swap3A_601 = tpu.vector_load %arg15[%swap3A_600] {strides = array<i32>} : memref<128xi32, #tpu.memory_space<vmem>>, vector<16xi32>,
        tpu.vector_store %arg15[%swap3A_600], %shift_right_logical3A_599 {strides = array<i32>} : memref<128xi32, #tpu.memory_space<vmem>>, vector<16xi32>,
        %mul3A_602 = arith.constant 128 : i32
        %mul3A_603 = arith.muli %add3A_573, %mul3A_602 : i32
        %add3A_604 = arith.constant 32 : i32
        %add3A_605 = arith.addi %mul3A_603, %add3A_604 : i32
        %get3A_606 = arith.index_cast %add3A_605 : i32 to index
        %get3A_607 = tpu.vector_load %arg7[%get3A_606] {strides = array<i32>} : memref<10240xi32, #tpu.memory_space<vmem>>, vector<16xi32>,
        %and3A_608 = arith.andi %get3A_607, %broadcast_in_dim3A_250 : vector<16xi32>
        %swap3A_609 = arith.constant 32 : index
        %swap3A_610 = tpu.vector_load %arg11[%swap3A_609] {strides = array<i32>} : memref<128xi32, #tpu.memory_space<vmem>>, vector<16xi32>,
        tpu.vector_store %arg11[%swap3A_609], %and3A_608 {strides = array<i32>} : memref<128xi32, #tpu.memory_space<vmem>>, vector<16xi32>,
        %shift_right_logical3A_611 = arith.constant 14 : i32
        %shift_right_logical3A_612 = vector.broadcast %shift_right_logical3A_611 : i32 to vector<16xi32>
        %shift_right_logical3A_613 = arith.shrui %get3A_607, %shift_right_logical3A_612 : vector<16xi32>
        %swap3A_614 = arith.constant 32 : index
        %swap3A_615 = tpu.vector_load %arg15[%swap3A_614] {strides = array<i32>} : memref<128xi32, #tpu.memory_space<vmem>>, vector<16xi32>,
        tpu.vector_store %arg15[%swap3A_614], %shift_right_logical3A_613 {strides = array<i32>} : memref<128xi32, #tpu.memory_space<vmem>>, vector<16xi32>,
        %mul3A_616 = arith.constant 128 : i32
        %mul3A_617 = arith.muli %add3A_573, %mul3A_616 : i32
        %add3A_618 = arith.constant 48 : i32
        %add3A_619 = arith.addi %mul3A_617, %add3A_618 : i32
        %get3A_620 = arith.index_cast %add3A_619 : i32 to index
        %get3A_621 = tpu.vector_load %arg7[%get3A_620] {strides = array<i32>} : memref<10240xi32, #tpu.memory_space<vmem>>, vector<16xi32>,
        %and3A_622 = arith.andi %get3A_621, %broadcast_in_dim3A_250 : vector<16xi32>
        %swap3A_623 = arith.constant 48 : index
        %swap3A_624 = tpu.vector_load %arg11[%swap3A_623] {strides = array<i32>} : memref<128xi32, #tpu.memory_space<vmem>>, vector<16xi32>,
        tpu.vector_store %arg11[%swap3A_623], %and3A_622 {strides = array<i32>} : memref<128xi32, #tpu.memory_space<vmem>>, vector<16xi32>,
        %shift_right_logical3A_625 = arith.constant 14 : i32
        %shift_right_logical3A_626 = vector.broadcast %shift_right_logical3A_625 : i32 to vector<16xi32>
        %shift_right_logical3A_627 = arith.shrui %get3A_621, %shift_right_logical3A_626 : vector<16xi32>
        %swap3A_628 = arith.constant 48 : index
        %swap3A_629 = tpu.vector_load %arg15[%swap3A_628] {strides = array<i32>} : memref<128xi32, #tpu.memory_space<vmem>>, vector<16xi32>,
        tpu.vector_store %arg15[%swap3A_628], %shift_right_logical3A_627 {strides = array<i32>} : memref<128xi32, #tpu.memory_space<vmem>>, vector<16xi32>,
        %mul3A_630 = arith.constant 128 : i32
        %mul3A_631 = arith.muli %add3A_573, %mul3A_630 : i32
        %add3A_632 = arith.constant 64 : i32
        %add3A_633 = arith.addi %mul3A_631, %add3A_632 : i32
        %get3A_634 = arith.index_cast %add3A_633 : i32 to index
        %get3A_635 = tpu.vector_load %arg7[%get3A_634] {strides = array<i32>} : memref<10240xi32, #tpu.memory_space<vmem>>, vector<16xi32>,
        %and3A_636 = arith.andi %get3A_635, %broadcast_in_dim3A_250 : vector<16xi32>
        %swap3A_637 = arith.constant 64 : index
        %swap3A_638 = tpu.vector_load %arg11[%swap3A_637] {strides = array<i32>} : memref<128xi32, #tpu.memory_space<vmem>>, vector<16xi32>,
        tpu.vector_store %arg11[%swap3A_637], %and3A_636 {strides = array<i32>} : memref<128xi32, #tpu.memory_space<vmem>>, vector<16xi32>,
        %shift_right_logical3A_639 = arith.constant 14 : i32
        %shift_right_logical3A_640 = vector.broadcast %shift_right_logical3A_639 : i32 to vector<16xi32>
        %shift_right_logical3A_641 = arith.shrui %get3A_635, %shift_right_logical3A_640 : vector<16xi32>
        %swap3A_642 = arith.constant 64 : index
        %swap3A_643 = tpu.vector_load %arg15[%swap3A_642] {strides = array<i32>} : memref<128xi32, #tpu.memory_space<vmem>>, vector<16xi32>,
        tpu.vector_store %arg15[%swap3A_642], %shift_right_logical3A_641 {strides = array<i32>} : memref<128xi32, #tpu.memory_space<vmem>>, vector<16xi32>,
        %mul3A_644 = arith.constant 128 : i32
        %mul3A_645 = arith.muli %add3A_573, %mul3A_644 : i32
        %add3A_646 = arith.constant 80 : i32
        %add3A_647 = arith.addi %mul3A_645, %add3A_646 : i32
        %get3A_648 = arith.index_cast %add3A_647 : i32 to index
        %get3A_649 = tpu.vector_load %arg7[%get3A_648] {strides = array<i32>} : memref<10240xi32, #tpu.memory_space<vmem>>, vector<16xi32>,
        %and3A_650 = arith.andi %get3A_649, %broadcast_in_dim3A_250 : vector<16xi32>
        %swap3A_651 = arith.constant 80 : index
        %swap3A_652 = tpu.vector_load %arg11[%swap3A_651] {strides = array<i32>} : memref<128xi32, #tpu.memory_space<vmem>>, vector<16xi32>,
        tpu.vector_store %arg11[%swap3A_651], %and3A_650 {strides = array<i32>} : memref<128xi32, #tpu.memory_space<vmem>>, vector<16xi32>,
        %shift_right_logical3A_653 = arith.constant 14 : i32
        %shift_right_logical3A_654 = vector.broadcast %shift_right_logical3A_653 : i32 to vector<16xi32>
        %shift_right_logical3A_655 = arith.shrui %get3A_649, %shift_right_logical3A_654 : vector<16xi32>
        %swap3A_656 = arith.constant 80 : index
        %swap3A_657 = tpu.vector_load %arg15[%swap3A_656] {strides = array<i32>} : memref<128xi32, #tpu.memory_space<vmem>>, vector<16xi32>,
        tpu.vector_store %arg15[%swap3A_656], %shift_right_logical3A_655 {strides = array<i32>} : memref<128xi32, #tpu.memory_space<vmem>>, vector<16xi32>,
        %mul3A_658 = arith.constant 128 : i32
        %mul3A_659 = arith.muli %add3A_573, %mul3A_658 : i32
        %add3A_660 = arith.constant 96 : i32
        %add3A_661 = arith.addi %mul3A_659, %add3A_660 : i32
        %get3A_662 = arith.index_cast %add3A_661 : i32 to index
        %get3A_663 = tpu.vector_load %arg7[%get3A_662] {strides = array<i32>} : memref<10240xi32, #tpu.memory_space<vmem>>, vector<16xi32>,
        %and3A_664 = arith.andi %get3A_663, %broadcast_in_dim3A_250 : vector<16xi32>
        %swap3A_665 = arith.constant 96 : index
        %swap3A_666 = tpu.vector_load %arg11[%swap3A_665] {strides = array<i32>} : memref<128xi32, #tpu.memory_space<vmem>>, vector<16xi32>,
        tpu.vector_store %arg11[%swap3A_665], %and3A_664 {strides = array<i32>} : memref<128xi32, #tpu.memory_space<vmem>>, vector<16xi32>,
        %shift_right_logical3A_667 = arith.constant 14 : i32
        %shift_right_logical3A_668 = vector.broadcast %shift_right_logical3A_667 : i32 to vector<16xi32>
        %shift_right_logical3A_669 = arith.shrui %get3A_663, %shift_right_logical3A_668 : vector<16xi32>
        %swap3A_670 = arith.constant 96 : index
        %swap3A_671 = tpu.vector_load %arg15[%swap3A_670] {strides = array<i32>} : memref<128xi32, #tpu.memory_space<vmem>>, vector<16xi32>,
        tpu.vector_store %arg15[%swap3A_670], %shift_right_logical3A_669 {strides = array<i32>} : memref<128xi32, #tpu.memory_space<vmem>>, vector<16xi32>,
        %mul3A_672 = arith.constant 128 : i32
        %mul3A_673 = arith.muli %add3A_573, %mul3A_672 : i32
        %add3A_674 = arith.constant 112 : i32
        %add3A_675 = arith.addi %mul3A_673, %add3A_674 : i32
        %get3A_676 = arith.index_cast %add3A_675 : i32 to index
        %get3A_677 = tpu.vector_load %arg7[%get3A_676] {strides = array<i32>} : memref<10240xi32, #tpu.memory_space<vmem>>, vector<16xi32>,
        %and3A_678 = arith.andi %get3A_677, %broadcast_in_dim3A_250 : vector<16xi32>
        %swap3A_679 = arith.constant 112 : index
        %swap3A_680 = tpu.vector_load %arg11[%swap3A_679] {strides = array<i32>} : memref<128xi32, #tpu.memory_space<vmem>>, vector<16xi32>,
        tpu.vector_store %arg11[%swap3A_679], %and3A_678 {strides = array<i32>} : memref<128xi32, #tpu.memory_space<vmem>>, vector<16xi32>,
        %shift_right_logical3A_681 = arith.constant 14 : i32
        %shift_right_logical3A_682 = vector.broadcast %shift_right_logical3A_681 : i32 to vector<16xi32>
        %shift_right_logical3A_683 = arith.shrui %get3A_677, %shift_right_logical3A_682 : vector<16xi32>
        %swap3A_684 = arith.constant 112 : index
        %swap3A_685 = tpu.vector_load %arg15[%swap3A_684] {strides = array<i32>} : memref<128xi32, #tpu.memory_space<vmem>>, vector<16xi32>,
        tpu.vector_store %arg15[%swap3A_684], %shift_right_logical3A_683 {strides = array<i32>} : memref<128xi32, #tpu.memory_space<vmem>>, vector<16xi32>,
        %dma_start3A_686 = arith.constant 0 : i32
        %dma_start3A_687 = arith.constant 0 : i32
        %dma_start3A_688 = tpu.memref_slice %arg2[%dma_start3A_686, %dma_start3A_687] : memref<10000x128xbf16, #tpu.memory_space<hbm>> -> memref<10000x128xbf16, #tpu.memory_space<hbm>>
        tpu.enqueue_indirect_dma source(%dma_start3A_688 : memref<10000x128xbf16, #tpu.memory_space<hbm>>) target(%arg19 : memref<128x128xbf16, #tpu.memory_space<vmem>>) offsets(%arg11 : memref<128xi32, #tpu.memory_space<vmem>>) semaphore(%arg25 : memref<!tpu.dma_semaphore, #tpu.memory_space<semaphore_mem>>)
      } else {
      }
      %add3A_500 = arith.constant 2 : i32
      %add3A_501 = arith.addi %mul3A_433, %add3A_500 : i32
      %dma_wait3A_502 = arith.constant 0 : i32
      %dma_wait3A_503 = arith.constant 0 : i32
      %dma_wait3A_504 = tpu.memref_slice %arg2[%dma_wait3A_502, %dma_wait3A_503] : memref<10000x128xbf16, #tpu.memory_space<hbm>> -> memref<10000x128xbf16, #tpu.memory_space<hbm>>
      tpu.wait_indirect_dma semaphore(%arg24 : memref<!tpu.dma_semaphore, #tpu.memory_space<semaphore_mem>>) src(%dma_wait3A_504 : memref<10000x128xbf16, #tpu.memory_space<hbm>>) dst(%arg18 : memref<128x128xbf16, #tpu.memory_space<vmem>>)
      %get3A_505 = arith.constant 0 : index
      %get3A_506 = tpu.vector_load %arg14[%get3A_505] {strides = array<i32>} : memref<128xi32, #tpu.memory_space<vmem>>, vector<16xi32>,
      tpu.vector_store_idx %arg20[%get3A_506], %broadcast_in_dim3A_248 {add = true} : memref<10240xf32, #tpu.memory_space<vmem>>[vector<16xi32>], vector<16xf32>,
      %get3A_507 = arith.constant 16 : index
      %get3A_508 = tpu.vector_load %arg14[%get3A_507] {strides = array<i32>} : memref<128xi32, #tpu.memory_space<vmem>>, vector<16xi32>,
      tpu.vector_store_idx %arg20[%get3A_508], %broadcast_in_dim3A_248 {add = true} : memref<10240xf32, #tpu.memory_space<vmem>>[vector<16xi32>], vector<16xf32>,
      %get3A_509 = arith.constant 32 : index
      %get3A_510 = tpu.vector_load %arg14[%get3A_509] {strides = array<i32>} : memref<128xi32, #tpu.memory_space<vmem>>, vector<16xi32>,
      tpu.vector_store_idx %arg20[%get3A_510], %broadcast_in_dim3A_248 {add = true} : memref<10240xf32, #tpu.memory_space<vmem>>[vector<16xi32>], vector<16xf32>,
      %get3A_511 = arith.constant 48 : index
      %get3A_512 = tpu.vector_load %arg14[%get3A_511] {strides = array<i32>} : memref<128xi32, #tpu.memory_space<vmem>>, vector<16xi32>,
      tpu.vector_store_idx %arg20[%get3A_512], %broadcast_in_dim3A_248 {add = true} : memref<10240xf32, #tpu.memory_space<vmem>>[vector<16xi32>], vector<16xf32>,
      %get3A_513 = arith.constant 64 : index
      %get3A_514 = tpu.vector_load %arg14[%get3A_513] {strides = array<i32>} : memref<128xi32, #tpu.memory_space<vmem>>, vector<16xi32>,
      tpu.vector_store_idx %arg20[%get3A_514], %broadcast_in_dim3A_248 {add = true} : memref<10240xf32, #tpu.memory_space<vmem>>[vector<16xi32>], vector<16xf32>,
      %get3A_515 = arith.constant 80 : index
      %get3A_516 = tpu.vector_load %arg14[%get3A_515] {strides = array<i32>} : memref<128xi32, #tpu.memory_space<vmem>>, vector<16xi32>,
      tpu.vector_store_idx %arg20[%get3A_516], %broadcast_in_dim3A_248 {add = true} : memref<10240xf32, #tpu.memory_space<vmem>>[vector<16xi32>], vector<16xf32>,
      %get3A_517 = arith.constant 96 : index
      %get3A_518 = tpu.vector_load %arg14[%get3A_517] {strides = array<i32>} : memref<128xi32, #tpu.memory_space<vmem>>, vector<16xi32>,
      tpu.vector_store_idx %arg20[%get3A_518], %broadcast_in_dim3A_248 {add = true} : memref<10240xf32, #tpu.memory_space<vmem>>[vector<16xi32>], vector<16xf32>,
      %get3A_519 = arith.constant 112 : index
      %get3A_520 = tpu.vector_load %arg14[%get3A_519] {strides = array<i32>} : memref<128xi32, #tpu.memory_space<vmem>>, vector<16xi32>,
      tpu.vector_store_idx %arg20[%get3A_520], %broadcast_in_dim3A_248 {add = true} : memref<10240xf32, #tpu.memory_space<vmem>>[vector<16xi32>], vector<16xf32>,
      %ge3A_521 = arith.constant 2 : i32
      %ge3A_522 = arith.cmpi sge, %add3A_501, %ge3A_521 : i32
      %convert_element_type3A_523 = arith.extui %ge3A_522 : i1 to i32
      %cond3A_524 = arith.constant 0 : i32
      %cond3A_525 = arith.cmpi ne, %convert_element_type3A_523, %cond3A_524 : i32
      scf.if %cond3A_525 {
        %dma_wait3A_572 = arith.constant 0 : i32
        %dma_wait3A_573 = arith.constant 0 : i32
        %dma_wait3A_574 = tpu.memref_slice %arg21[%dma_wait3A_572, %dma_wait3A_573] : memref<10240x128xbf16, #tpu.memory_space<vmem_shared>> -> memref<10240x128xbf16, #tpu.memory_space<vmem_shared>>
        tpu.wait_indirect_dma semaphore(%arg26 : memref<!tpu.dma_semaphore, #tpu.memory_space<semaphore_mem>>) src(%arg16 : memref<128x128xbf16, #tpu.memory_space<vmem>>) dst(%dma_wait3A_574 : memref<10240x128xbf16, #tpu.memory_space<vmem_shared>>)
      } else {
      }
      %dma_start3A_526 = arith.constant 0 : i32
      %dma_start3A_527 = arith.constant 0 : i32
      %dma_start3A_528 = tpu.memref_slice %arg21[%dma_start3A_526, %dma_start3A_527] : memref<10240x128xbf16, #tpu.memory_space<vmem_shared>> -> memref<10240x128xbf16, #tpu.memory_space<vmem_shared>>
      tpu.enqueue_indirect_dma source(%arg18 : memref<128x128xbf16, #tpu.memory_space<vmem>>) target(%dma_start3A_528 : memref<10240x128xbf16, #tpu.memory_space<vmem_shared>>) offsets(%arg14 : memref<128xi32, #tpu.memory_space<vmem>>) semaphore(%arg26 : memref<!tpu.dma_semaphore, #tpu.memory_space<semaphore_mem>>) {add = true}
      %add3A_529 = arith.constant 2 : i32
      %add3A_530 = arith.addi %add3A_501, %add3A_529 : i32
      %lt3A_531 = arith.constant 80 : i32
      %lt3A_532 = arith.cmpi slt, %add3A_530, %lt3A_531 : i32
      %convert_element_type3A_533 = arith.extui %lt3A_532 : i1 to i32
      %cond3A_534 = arith.constant 0 : i32
      %cond3A_535 = arith.cmpi ne, %convert_element_type3A_533, %cond3A_534 : i32
      scf.if %cond3A_535 {
        %add3A_572 = arith.constant 2 : i32
        %add3A_573 = arith.addi %add3A_501, %add3A_572 : i32
        %mul3A_574 = arith.constant 128 : i32
        %mul3A_575 = arith.muli %add3A_573, %mul3A_574 : i32
        %add3A_576 = arith.constant 0 : i32
        %add3A_577 = arith.addi %mul3A_575, %add3A_576 : i32
        %get3A_578 = arith.index_cast %add3A_577 : i32 to index
        %get3A_579 = tpu.vector_load %arg7[%get3A_578] {strides = array<i32>} : memref<10240xi32, #tpu.memory_space<vmem>>, vector<16xi32>,
        %and3A_580 = arith.andi %get3A_579, %broadcast_in_dim3A_250 : vector<16xi32>
        %swap3A_581 = arith.constant 0 : index
        %swap3A_582 = tpu.vector_load %arg8[%swap3A_581] {strides = array<i32>} : memref<128xi32, #tpu.memory_space<vmem>>, vector<16xi32>,
        tpu.vector_store %arg8[%swap3A_581], %and3A_580 {strides = array<i32>} : memref<128xi32, #tpu.memory_space<vmem>>, vector<16xi32>,
        %shift_right_logical3A_583 = arith.constant 14 : i32
        %shift_right_logical3A_584 = vector.broadcast %shift_right_logical3A_583 : i32 to vector<16xi32>
        %shift_right_logical3A_585 = arith.shrui %get3A_579, %shift_right_logical3A_584 : vector<16xi32>
        %swap3A_586 = arith.constant 0 : index
        %swap3A_587 = tpu.vector_load %arg12[%swap3A_586] {strides = array<i32>} : memref<128xi32, #tpu.memory_space<vmem>>, vector<16xi32>,
        tpu.vector_store %arg12[%swap3A_586], %shift_right_logical3A_585 {strides = array<i32>} : memref<128xi32, #tpu.memory_space<vmem>>, vector<16xi32>,
        %mul3A_588 = arith.constant 128 : i32
        %mul3A_589 = arith.muli %add3A_573, %mul3A_588 : i32
        %add3A_590 = arith.constant 16 : i32
        %add3A_591 = arith.addi %mul3A_589, %add3A_590 : i32
        %get3A_592 = arith.index_cast %add3A_591 : i32 to index
        %get3A_593 = tpu.vector_load %arg7[%get3A_592] {strides = array<i32>} : memref<10240xi32, #tpu.memory_space<vmem>>, vector<16xi32>,
        %and3A_594 = arith.andi %get3A_593, %broadcast_in_dim3A_250 : vector<16xi32>
        %swap3A_595 = arith.constant 16 : index
        %swap3A_596 = tpu.vector_load %arg8[%swap3A_595] {strides = array<i32>} : memref<128xi32, #tpu.memory_space<vmem>>, vector<16xi32>,
        tpu.vector_store %arg8[%swap3A_595], %and3A_594 {strides = array<i32>} : memref<128xi32, #tpu.memory_space<vmem>>, vector<16xi32>,
        %shift_right_logical3A_597 = arith.constant 14 : i32
        %shift_right_logical3A_598 = vector.broadcast %shift_right_logical3A_597 : i32 to vector<16xi32>
        %shift_right_logical3A_599 = arith.shrui %get3A_593, %shift_right_logical3A_598 : vector<16xi32>
        %swap3A_600 = arith.constant 16 : index
        %swap3A_601 = tpu.vector_load %arg12[%swap3A_600] {strides = array<i32>} : memref<128xi32, #tpu.memory_space<vmem>>, vector<16xi32>,
        tpu.vector_store %arg12[%swap3A_600], %shift_right_logical3A_599 {strides = array<i32>} : memref<128xi32, #tpu.memory_space<vmem>>, vector<16xi32>,
        %mul3A_602 = arith.constant 128 : i32
        %mul3A_603 = arith.muli %add3A_573, %mul3A_602 : i32
        %add3A_604 = arith.constant 32 : i32
        %add3A_605 = arith.addi %mul3A_603, %add3A_604 : i32
        %get3A_606 = arith.index_cast %add3A_605 : i32 to index
        %get3A_607 = tpu.vector_load %arg7[%get3A_606] {strides = array<i32>} : memref<10240xi32, #tpu.memory_space<vmem>>, vector<16xi32>,
        %and3A_608 = arith.andi %get3A_607, %broadcast_in_dim3A_250 : vector<16xi32>
        %swap3A_609 = arith.constant 32 : index
        %swap3A_610 = tpu.vector_load %arg8[%swap3A_609] {strides = array<i32>} : memref<128xi32, #tpu.memory_space<vmem>>, vector<16xi32>,
        tpu.vector_store %arg8[%swap3A_609], %and3A_608 {strides = array<i32>} : memref<128xi32, #tpu.memory_space<vmem>>, vector<16xi32>,
        %shift_right_logical3A_611 = arith.constant 14 : i32
        %shift_right_logical3A_612 = vector.broadcast %shift_right_logical3A_611 : i32 to vector<16xi32>
        %shift_right_logical3A_613 = arith.shrui %get3A_607, %shift_right_logical3A_612 : vector<16xi32>
        %swap3A_614 = arith.constant 32 : index
        %swap3A_615 = tpu.vector_load %arg12[%swap3A_614] {strides = array<i32>} : memref<128xi32, #tpu.memory_space<vmem>>, vector<16xi32>,
        tpu.vector_store %arg12[%swap3A_614], %shift_right_logical3A_613 {strides = array<i32>} : memref<128xi32, #tpu.memory_space<vmem>>, vector<16xi32>,
        %mul3A_616 = arith.constant 128 : i32
        %mul3A_617 = arith.muli %add3A_573, %mul3A_616 : i32
        %add3A_618 = arith.constant 48 : i32
        %add3A_619 = arith.addi %mul3A_617, %add3A_618 : i32
        %get3A_620 = arith.index_cast %add3A_619 : i32 to index
        %get3A_621 = tpu.vector_load %arg7[%get3A_620] {strides = array<i32>} : memref<10240xi32, #tpu.memory_space<vmem>>, vector<16xi32>,
        %and3A_622 = arith.andi %get3A_621, %broadcast_in_dim3A_250 : vector<16xi32>
        %swap3A_623 = arith.constant 48 : index
        %swap3A_624 = tpu.vector_load %arg8[%swap3A_623] {strides = array<i32>} : memref<128xi32, #tpu.memory_space<vmem>>, vector<16xi32>,
        tpu.vector_store %arg8[%swap3A_623], %and3A_622 {strides = array<i32>} : memref<128xi32, #tpu.memory_space<vmem>>, vector<16xi32>,
        %shift_right_logical3A_625 = arith.constant 14 : i32
        %shift_right_logical3A_626 = vector.broadcast %shift_right_logical3A_625 : i32 to vector<16xi32>
        %shift_right_logical3A_627 = arith.shrui %get3A_621, %shift_right_logical3A_626 : vector<16xi32>
        %swap3A_628 = arith.constant 48 : index
        %swap3A_629 = tpu.vector_load %arg12[%swap3A_628] {strides = array<i32>} : memref<128xi32, #tpu.memory_space<vmem>>, vector<16xi32>,
        tpu.vector_store %arg12[%swap3A_628], %shift_right_logical3A_627 {strides = array<i32>} : memref<128xi32, #tpu.memory_space<vmem>>, vector<16xi32>,
        %mul3A_630 = arith.constant 128 : i32
        %mul3A_631 = arith.muli %add3A_573, %mul3A_630 : i32
        %add3A_632 = arith.constant 64 : i32
        %add3A_633 = arith.addi %mul3A_631, %add3A_632 : i32
        %get3A_634 = arith.index_cast %add3A_633 : i32 to index
        %get3A_635 = tpu.vector_load %arg7[%get3A_634] {strides = array<i32>} : memref<10240xi32, #tpu.memory_space<vmem>>, vector<16xi32>,
        %and3A_636 = arith.andi %get3A_635, %broadcast_in_dim3A_250 : vector<16xi32>
        %swap3A_637 = arith.constant 64 : index
        %swap3A_638 = tpu.vector_load %arg8[%swap3A_637] {strides = array<i32>} : memref<128xi32, #tpu.memory_space<vmem>>, vector<16xi32>,
        tpu.vector_store %arg8[%swap3A_637], %and3A_636 {strides = array<i32>} : memref<128xi32, #tpu.memory_space<vmem>>, vector<16xi32>,
        %shift_right_logical3A_639 = arith.constant 14 : i32
        %shift_right_logical3A_640 = vector.broadcast %shift_right_logical3A_639 : i32 to vector<16xi32>
        %shift_right_logical3A_641 = arith.shrui %get3A_635, %shift_right_logical3A_640 : vector<16xi32>
        %swap3A_642 = arith.constant 64 : index
        %swap3A_643 = tpu.vector_load %arg12[%swap3A_642] {strides = array<i32>} : memref<128xi32, #tpu.memory_space<vmem>>, vector<16xi32>,
        tpu.vector_store %arg12[%swap3A_642], %shift_right_logical3A_641 {strides = array<i32>} : memref<128xi32, #tpu.memory_space<vmem>>, vector<16xi32>,
        %mul3A_644 = arith.constant 128 : i32
        %mul3A_645 = arith.muli %add3A_573, %mul3A_644 : i32
        %add3A_646 = arith.constant 80 : i32
        %add3A_647 = arith.addi %mul3A_645, %add3A_646 : i32
        %get3A_648 = arith.index_cast %add3A_647 : i32 to index
        %get3A_649 = tpu.vector_load %arg7[%get3A_648] {strides = array<i32>} : memref<10240xi32, #tpu.memory_space<vmem>>, vector<16xi32>,
        %and3A_650 = arith.andi %get3A_649, %broadcast_in_dim3A_250 : vector<16xi32>
        %swap3A_651 = arith.constant 80 : index
        %swap3A_652 = tpu.vector_load %arg8[%swap3A_651] {strides = array<i32>} : memref<128xi32, #tpu.memory_space<vmem>>, vector<16xi32>,
        tpu.vector_store %arg8[%swap3A_651], %and3A_650 {strides = array<i32>} : memref<128xi32, #tpu.memory_space<vmem>>, vector<16xi32>,
        %shift_right_logical3A_653 = arith.constant 14 : i32
        %shift_right_logical3A_654 = vector.broadcast %shift_right_logical3A_653 : i32 to vector<16xi32>
        %shift_right_logical3A_655 = arith.shrui %get3A_649, %shift_right_logical3A_654 : vector<16xi32>
        %swap3A_656 = arith.constant 80 : index
        %swap3A_657 = tpu.vector_load %arg12[%swap3A_656] {strides = array<i32>} : memref<128xi32, #tpu.memory_space<vmem>>, vector<16xi32>,
        tpu.vector_store %arg12[%swap3A_656], %shift_right_logical3A_655 {strides = array<i32>} : memref<128xi32, #tpu.memory_space<vmem>>, vector<16xi32>,
        %mul3A_658 = arith.constant 128 : i32
        %mul3A_659 = arith.muli %add3A_573, %mul3A_658 : i32
        %add3A_660 = arith.constant 96 : i32
        %add3A_661 = arith.addi %mul3A_659, %add3A_660 : i32
        %get3A_662 = arith.index_cast %add3A_661 : i32 to index
        %get3A_663 = tpu.vector_load %arg7[%get3A_662] {strides = array<i32>} : memref<10240xi32, #tpu.memory_space<vmem>>, vector<16xi32>,
        %and3A_664 = arith.andi %get3A_663, %broadcast_in_dim3A_250 : vector<16xi32>
        %swap3A_665 = arith.constant 96 : index
        %swap3A_666 = tpu.vector_load %arg8[%swap3A_665] {strides = array<i32>} : memref<128xi32, #tpu.memory_space<vmem>>, vector<16xi32>,
        tpu.vector_store %arg8[%swap3A_665], %and3A_664 {strides = array<i32>} : memref<128xi32, #tpu.memory_space<vmem>>, vector<16xi32>,
        %shift_right_logical3A_667 = arith.constant 14 : i32
        %shift_right_logical3A_668 = vector.broadcast %shift_right_logical3A_667 : i32 to vector<16xi32>
        %shift_right_logical3A_669 = arith.shrui %get3A_663, %shift_right_logical3A_668 : vector<16xi32>
        %swap3A_670 = arith.constant 96 : index
        %swap3A_671 = tpu.vector_load %arg12[%swap3A_670] {strides = array<i32>} : memref<128xi32, #tpu.memory_space<vmem>>, vector<16xi32>,
        tpu.vector_store %arg12[%swap3A_670], %shift_right_logical3A_669 {strides = array<i32>} : memref<128xi32, #tpu.memory_space<vmem>>, vector<16xi32>,
        %mul3A_672 = arith.constant 128 : i32
        %mul3A_673 = arith.muli %add3A_573, %mul3A_672 : i32
        %add3A_674 = arith.constant 112 : i32
        %add3A_675 = arith.addi %mul3A_673, %add3A_674 : i32
        %get3A_676 = arith.index_cast %add3A_675 : i32 to index
        %get3A_677 = tpu.vector_load %arg7[%get3A_676] {strides = array<i32>} : memref<10240xi32, #tpu.memory_space<vmem>>, vector<16xi32>,
        %and3A_678 = arith.andi %get3A_677, %broadcast_in_dim3A_250 : vector<16xi32>
        %swap3A_679 = arith.constant 112 : index
        %swap3A_680 = tpu.vector_load %arg8[%swap3A_679] {strides = array<i32>} : memref<128xi32, #tpu.memory_space<vmem>>, vector<16xi32>,
        tpu.vector_store %arg8[%swap3A_679], %and3A_678 {strides = array<i32>} : memref<128xi32, #tpu.memory_space<vmem>>, vector<16xi32>,
        %shift_right_logical3A_681 = arith.constant 14 : i32
        %shift_right_logical3A_682 = vector.broadcast %shift_right_logical3A_681 : i32 to vector<16xi32>
        %shift_right_logical3A_683 = arith.shrui %get3A_677, %shift_right_logical3A_682 : vector<16xi32>
        %swap3A_684 = arith.constant 112 : index
        %swap3A_685 = tpu.vector_load %arg12[%swap3A_684] {strides = array<i32>} : memref<128xi32, #tpu.memory_space<vmem>>, vector<16xi32>,
        tpu.vector_store %arg12[%swap3A_684], %shift_right_logical3A_683 {strides = array<i32>} : memref<128xi32, #tpu.memory_space<vmem>>, vector<16xi32>,
        %dma_start3A_686 = arith.constant 0 : i32
        %dma_start3A_687 = arith.constant 0 : i32
        %dma_start3A_688 = tpu.memref_slice %arg2[%dma_start3A_686, %dma_start3A_687] : memref<10000x128xbf16, #tpu.memory_space<hbm>> -> memref<10000x128xbf16, #tpu.memory_space<hbm>>
        tpu.enqueue_indirect_dma source(%dma_start3A_688 : memref<10000x128xbf16, #tpu.memory_space<hbm>>) target(%arg16 : memref<128x128xbf16, #tpu.memory_space<vmem>>) offsets(%arg8 : memref<128xi32, #tpu.memory_space<vmem>>) semaphore(%arg22 : memref<!tpu.dma_semaphore, #tpu.memory_space<semaphore_mem>>)
      } else {
      }
      %add3A_536 = arith.constant 3 : i32
      %add3A_537 = arith.addi %mul3A_433, %add3A_536 : i32
      %dma_wait3A_538 = arith.constant 0 : i32
      %dma_wait3A_539 = arith.constant 0 : i32
      %dma_wait3A_540 = tpu.memref_slice %arg2[%dma_wait3A_538, %dma_wait3A_539] : memref<10000x128xbf16, #tpu.memory_space<hbm>> -> memref<10000x128xbf16, #tpu.memory_space<hbm>>
      tpu.wait_indirect_dma semaphore(%arg25 : memref<!tpu.dma_semaphore, #tpu.memory_space<semaphore_mem>>) src(%dma_wait3A_540 : memref<10000x128xbf16, #tpu.memory_space<hbm>>) dst(%arg19 : memref<128x128xbf16, #tpu.memory_space<vmem>>)
      %get3A_541 = arith.constant 0 : index
      %get3A_542 = tpu.vector_load %arg15[%get3A_541] {strides = array<i32>} : memref<128xi32, #tpu.memory_space<vmem>>, vector<16xi32>,
      tpu.vector_store_idx %arg20[%get3A_542], %broadcast_in_dim3A_248 {add = true} : memref<10240xf32, #tpu.memory_space<vmem>>[vector<16xi32>], vector<16xf32>,
      %get3A_543 = arith.constant 16 : index
      %get3A_544 = tpu.vector_load %arg15[%get3A_543] {strides = array<i32>} : memref<128xi32, #tpu.memory_space<vmem>>, vector<16xi32>,
      tpu.vector_store_idx %arg20[%get3A_544], %broadcast_in_dim3A_248 {add = true} : memref<10240xf32, #tpu.memory_space<vmem>>[vector<16xi32>], vector<16xf32>,
      %get3A_545 = arith.constant 32 : index
      %get3A_546 = tpu.vector_load %arg15[%get3A_545] {strides = array<i32>} : memref<128xi32, #tpu.memory_space<vmem>>, vector<16xi32>,
      tpu.vector_store_idx %arg20[%get3A_546], %broadcast_in_dim3A_248 {add = true} : memref<10240xf32, #tpu.memory_space<vmem>>[vector<16xi32>], vector<16xf32>,
      %get3A_547 = arith.constant 48 : index
      %get3A_548 = tpu.vector_load %arg15[%get3A_547] {strides = array<i32>} : memref<128xi32, #tpu.memory_space<vmem>>, vector<16xi32>,
      tpu.vector_store_idx %arg20[%get3A_548], %broadcast_in_dim3A_248 {add = true} : memref<10240xf32, #tpu.memory_space<vmem>>[vector<16xi32>], vector<16xf32>,
      %get3A_549 = arith.constant 64 : index
      %get3A_550 = tpu.vector_load %arg15[%get3A_549] {strides = array<i32>} : memref<128xi32, #tpu.memory_space<vmem>>, vector<16xi32>,
      tpu.vector_store_idx %arg20[%get3A_550], %broadcast_in_dim3A_248 {add = true} : memref<10240xf32, #tpu.memory_space<vmem>>[vector<16xi32>], vector<16xf32>,
      %get3A_551 = arith.constant 80 : index
      %get3A_552 = tpu.vector_load %arg15[%get3A_551] {strides = array<i32>} : memref<128xi32, #tpu.memory_space<vmem>>, vector<16xi32>,
      tpu.vector_store_idx %arg20[%get3A_552], %broadcast_in_dim3A_248 {add = true} : memref<10240xf32, #tpu.memory_space<vmem>>[vector<16xi32>], vector<16xf32>,
      %get3A_553 = arith.constant 96 : index
      %get3A_554 = tpu.vector_load %arg15[%get3A_553] {strides = array<i32>} : memref<128xi32, #tpu.memory_space<vmem>>, vector<16xi32>,
      tpu.vector_store_idx %arg20[%get3A_554], %broadcast_in_dim3A_248 {add = true} : memref<10240xf32, #tpu.memory_space<vmem>>[vector<16xi32>], vector<16xf32>,
      %get3A_555 = arith.constant 112 : index
      %get3A_556 = tpu.vector_load %arg15[%get3A_555] {strides = array<i32>} : memref<128xi32, #tpu.memory_space<vmem>>, vector<16xi32>,
      tpu.vector_store_idx %arg20[%get3A_556], %broadcast_in_dim3A_248 {add = true} : memref<10240xf32, #tpu.memory_space<vmem>>[vector<16xi32>], vector<16xf32>,
      %ge3A_557 = arith.constant 2 : i32
      %ge3A_558 = arith.cmpi sge, %add3A_537, %ge3A_557 : i32
      %convert_element_type3A_559 = arith.extui %ge3A_558 : i1 to i32
      %cond3A_560 = arith.constant 0 : i32
      %cond3A_561 = arith.cmpi ne, %convert_element_type3A_559, %cond3A_560 : i32
      scf.if %cond3A_561 {
        %dma_wait3A_572 = arith.constant 0 : i32
        %dma_wait3A_573 = arith.constant 0 : i32
        %dma_wait3A_574 = tpu.memref_slice %arg21[%dma_wait3A_572, %dma_wait3A_573] : memref<10240x128xbf16, #tpu.memory_space<vmem_shared>> -> memref<10240x128xbf16, #tpu.memory_space<vmem_shared>>
        tpu.wait_indirect_dma semaphore(%arg27 : memref<!tpu.dma_semaphore, #tpu.memory_space<semaphore_mem>>) src(%arg17 : memref<128x128xbf16, #tpu.memory_space<vmem>>) dst(%dma_wait3A_574 : memref<10240x128xbf16, #tpu.memory_space<vmem_shared>>)
      } else {
      }
      %dma_start3A_562 = arith.constant 0 : i32
      %dma_start3A_563 = arith.constant 0 : i32
      %dma_start3A_564 = tpu.memref_slice %arg21[%dma_start3A_562, %dma_start3A_563] : memref<10240x128xbf16, #tpu.memory_space<vmem_shared>> -> memref<10240x128xbf16, #tpu.memory_space<vmem_shared>>
      tpu.enqueue_indirect_dma source(%arg19 : memref<128x128xbf16, #tpu.memory_space<vmem>>) target(%dma_start3A_564 : memref<10240x128xbf16, #tpu.memory_space<vmem_shared>>) offsets(%arg15 : memref<128xi32, #tpu.memory_space<vmem>>) semaphore(%arg27 : memref<!tpu.dma_semaphore, #tpu.memory_space<semaphore_mem>>) {add = true}
      %add3A_565 = arith.constant 2 : i32
      %add3A_566 = arith.addi %add3A_537, %add3A_565 : i32
      %lt3A_567 = arith.constant 80 : i32
      %lt3A_568 = arith.cmpi slt, %add3A_566, %lt3A_567 : i32
      %convert_element_type3A_569 = arith.extui %lt3A_568 : i1 to i32
      %cond3A_570 = arith.constant 0 : i32
      %cond3A_571 = arith.cmpi ne, %convert_element_type3A_569, %cond3A_570 : i32
      scf.if %cond3A_571 {
        %add3A_572 = arith.constant 2 : i32
        %add3A_573 = arith.addi %add3A_537, %add3A_572 : i32
        %mul3A_574 = arith.constant 128 : i32
        %mul3A_575 = arith.muli %add3A_573, %mul3A_574 : i32
        %add3A_576 = arith.constant 0 : i32
        %add3A_577 = arith.addi %mul3A_575, %add3A_576 : i32
        %get3A_578 = arith.index_cast %add3A_577 : i32 to index
        %get3A_579 = tpu.vector_load %arg7[%get3A_578] {strides = array<i32>} : memref<10240xi32, #tpu.memory_space<vmem>>, vector<16xi32>,
        %and3A_580 = arith.andi %get3A_579, %broadcast_in_dim3A_250 : vector<16xi32>
        %swap3A_581 = arith.constant 0 : index
        %swap3A_582 = tpu.vector_load %arg9[%swap3A_581] {strides = array<i32>} : memref<128xi32, #tpu.memory_space<vmem>>, vector<16xi32>,
        tpu.vector_store %arg9[%swap3A_581], %and3A_580 {strides = array<i32>} : memref<128xi32, #tpu.memory_space<vmem>>, vector<16xi32>,
        %shift_right_logical3A_583 = arith.constant 14 : i32
        %shift_right_logical3A_584 = vector.broadcast %shift_right_logical3A_583 : i32 to vector<16xi32>
        %shift_right_logical3A_585 = arith.shrui %get3A_579, %shift_right_logical3A_584 : vector<16xi32>
        %swap3A_586 = arith.constant 0 : index
        %swap3A_587 = tpu.vector_load %arg13[%swap3A_586] {strides = array<i32>} : memref<128xi32, #tpu.memory_space<vmem>>, vector<16xi32>,
        tpu.vector_store %arg13[%swap3A_586], %shift_right_logical3A_585 {strides = array<i32>} : memref<128xi32, #tpu.memory_space<vmem>>, vector<16xi32>,
        %mul3A_588 = arith.constant 128 : i32
        %mul3A_589 = arith.muli %add3A_573, %mul3A_588 : i32
        %add3A_590 = arith.constant 16 : i32
        %add3A_591 = arith.addi %mul3A_589, %add3A_590 : i32
        %get3A_592 = arith.index_cast %add3A_591 : i32 to index
        %get3A_593 = tpu.vector_load %arg7[%get3A_592] {strides = array<i32>} : memref<10240xi32, #tpu.memory_space<vmem>>, vector<16xi32>,
        %and3A_594 = arith.andi %get3A_593, %broadcast_in_dim3A_250 : vector<16xi32>
        %swap3A_595 = arith.constant 16 : index
        %swap3A_596 = tpu.vector_load %arg9[%swap3A_595] {strides = array<i32>} : memref<128xi32, #tpu.memory_space<vmem>>, vector<16xi32>,
        tpu.vector_store %arg9[%swap3A_595], %and3A_594 {strides = array<i32>} : memref<128xi32, #tpu.memory_space<vmem>>, vector<16xi32>,
        %shift_right_logical3A_597 = arith.constant 14 : i32
        %shift_right_logical3A_598 = vector.broadcast %shift_right_logical3A_597 : i32 to vector<16xi32>
        %shift_right_logical3A_599 = arith.shrui %get3A_593, %shift_right_logical3A_598 : vector<16xi32>
        %swap3A_600 = arith.constant 16 : index
        %swap3A_601 = tpu.vector_load %arg13[%swap3A_600] {strides = array<i32>} : memref<128xi32, #tpu.memory_space<vmem>>, vector<16xi32>,
        tpu.vector_store %arg13[%swap3A_600], %shift_right_logical3A_599 {strides = array<i32>} : memref<128xi32, #tpu.memory_space<vmem>>, vector<16xi32>,
        %mul3A_602 = arith.constant 128 : i32
        %mul3A_603 = arith.muli %add3A_573, %mul3A_602 : i32
        %add3A_604 = arith.constant 32 : i32
        %add3A_605 = arith.addi %mul3A_603, %add3A_604 : i32
        %get3A_606 = arith.index_cast %add3A_605 : i32 to index
        %get3A_607 = tpu.vector_load %arg7[%get3A_606] {strides = array<i32>} : memref<10240xi32, #tpu.memory_space<vmem>>, vector<16xi32>,
        %and3A_608 = arith.andi %get3A_607, %broadcast_in_dim3A_250 : vector<16xi32>
        %swap3A_609 = arith.constant 32 : index
        %swap3A_610 = tpu.vector_load %arg9[%swap3A_609] {strides = array<i32>} : memref<128xi32, #tpu.memory_space<vmem>>, vector<16xi32>,
        tpu.vector_store %arg9[%swap3A_609], %and3A_608 {strides = array<i32>} : memref<128xi32, #tpu.memory_space<vmem>>, vector<16xi32>,
        %shift_right_logical3A_611 = arith.constant 14 : i32
        %shift_right_logical3A_612 = vector.broadcast %shift_right_logical3A_611 : i32 to vector<16xi32>
        %shift_right_logical3A_613 = arith.shrui %get3A_607, %shift_right_logical3A_612 : vector<16xi32>
        %swap3A_614 = arith.constant 32 : index
        %swap3A_615 = tpu.vector_load %arg13[%swap3A_614] {strides = array<i32>} : memref<128xi32, #tpu.memory_space<vmem>>, vector<16xi32>,
        tpu.vector_store %arg13[%swap3A_614], %shift_right_logical3A_613 {strides = array<i32>} : memref<128xi32, #tpu.memory_space<vmem>>, vector<16xi32>,
        %mul3A_616 = arith.constant 128 : i32
        %mul3A_617 = arith.muli %add3A_573, %mul3A_616 : i32
        %add3A_618 = arith.constant 48 : i32
        %add3A_619 = arith.addi %mul3A_617, %add3A_618 : i32
        %get3A_620 = arith.index_cast %add3A_619 : i32 to index
        %get3A_621 = tpu.vector_load %arg7[%get3A_620] {strides = array<i32>} : memref<10240xi32, #tpu.memory_space<vmem>>, vector<16xi32>,
        %and3A_622 = arith.andi %get3A_621, %broadcast_in_dim3A_250 : vector<16xi32>
        %swap3A_623 = arith.constant 48 : index
        %swap3A_624 = tpu.vector_load %arg9[%swap3A_623] {strides = array<i32>} : memref<128xi32, #tpu.memory_space<vmem>>, vector<16xi32>,
        tpu.vector_store %arg9[%swap3A_623], %and3A_622 {strides = array<i32>} : memref<128xi32, #tpu.memory_space<vmem>>, vector<16xi32>,
        %shift_right_logical3A_625 = arith.constant 14 : i32
        %shift_right_logical3A_626 = vector.broadcast %shift_right_logical3A_625 : i32 to vector<16xi32>
        %shift_right_logical3A_627 = arith.shrui %get3A_621, %shift_right_logical3A_626 : vector<16xi32>
        %swap3A_628 = arith.constant 48 : index
        %swap3A_629 = tpu.vector_load %arg13[%swap3A_628] {strides = array<i32>} : memref<128xi32, #tpu.memory_space<vmem>>, vector<16xi32>,
        tpu.vector_store %arg13[%swap3A_628], %shift_right_logical3A_627 {strides = array<i32>} : memref<128xi32, #tpu.memory_space<vmem>>, vector<16xi32>,
        %mul3A_630 = arith.constant 128 : i32
        %mul3A_631 = arith.muli %add3A_573, %mul3A_630 : i32
        %add3A_632 = arith.constant 64 : i32
        %add3A_633 = arith.addi %mul3A_631, %add3A_632 : i32
        %get3A_634 = arith.index_cast %add3A_633 : i32 to index
        %get3A_635 = tpu.vector_load %arg7[%get3A_634] {strides = array<i32>} : memref<10240xi32, #tpu.memory_space<vmem>>, vector<16xi32>,
        %and3A_636 = arith.andi %get3A_635, %broadcast_in_dim3A_250 : vector<16xi32>
        %swap3A_637 = arith.constant 64 : index
        %swap3A_638 = tpu.vector_load %arg9[%swap3A_637] {strides = array<i32>} : memref<128xi32, #tpu.memory_space<vmem>>, vector<16xi32>,
        tpu.vector_store %arg9[%swap3A_637], %and3A_636 {strides = array<i32>} : memref<128xi32, #tpu.memory_space<vmem>>, vector<16xi32>,
        %shift_right_logical3A_639 = arith.constant 14 : i32
        %shift_right_logical3A_640 = vector.broadcast %shift_right_logical3A_639 : i32 to vector<16xi32>
        %shift_right_logical3A_641 = arith.shrui %get3A_635, %shift_right_logical3A_640 : vector<16xi32>
        %swap3A_642 = arith.constant 64 : index
        %swap3A_643 = tpu.vector_load %arg13[%swap3A_642] {strides = array<i32>} : memref<128xi32, #tpu.memory_space<vmem>>, vector<16xi32>,
        tpu.vector_store %arg13[%swap3A_642], %shift_right_logical3A_641 {strides = array<i32>} : memref<128xi32, #tpu.memory_space<vmem>>, vector<16xi32>,
        %mul3A_644 = arith.constant 128 : i32
        %mul3A_645 = arith.muli %add3A_573, %mul3A_644 : i32
        %add3A_646 = arith.constant 80 : i32
        %add3A_647 = arith.addi %mul3A_645, %add3A_646 : i32
        %get3A_648 = arith.index_cast %add3A_647 : i32 to index
        %get3A_649 = tpu.vector_load %arg7[%get3A_648] {strides = array<i32>} : memref<10240xi32, #tpu.memory_space<vmem>>, vector<16xi32>,
        %and3A_650 = arith.andi %get3A_649, %broadcast_in_dim3A_250 : vector<16xi32>
        %swap3A_651 = arith.constant 80 : index
        %swap3A_652 = tpu.vector_load %arg9[%swap3A_651] {strides = array<i32>} : memref<128xi32, #tpu.memory_space<vmem>>, vector<16xi32>,
        tpu.vector_store %arg9[%swap3A_651], %and3A_650 {strides = array<i32>} : memref<128xi32, #tpu.memory_space<vmem>>, vector<16xi32>,
        %shift_right_logical3A_653 = arith.constant 14 : i32
        %shift_right_logical3A_654 = vector.broadcast %shift_right_logical3A_653 : i32 to vector<16xi32>
        %shift_right_logical3A_655 = arith.shrui %get3A_649, %shift_right_logical3A_654 : vector<16xi32>
        %swap3A_656 = arith.constant 80 : index
        %swap3A_657 = tpu.vector_load %arg13[%swap3A_656] {strides = array<i32>} : memref<128xi32, #tpu.memory_space<vmem>>, vector<16xi32>,
        tpu.vector_store %arg13[%swap3A_656], %shift_right_logical3A_655 {strides = array<i32>} : memref<128xi32, #tpu.memory_space<vmem>>, vector<16xi32>,
        %mul3A_658 = arith.constant 128 : i32
        %mul3A_659 = arith.muli %add3A_573, %mul3A_658 : i32
        %add3A_660 = arith.constant 96 : i32
        %add3A_661 = arith.addi %mul3A_659, %add3A_660 : i32
        %get3A_662 = arith.index_cast %add3A_661 : i32 to index
        %get3A_663 = tpu.vector_load %arg7[%get3A_662] {strides = array<i32>} : memref<10240xi32, #tpu.memory_space<vmem>>, vector<16xi32>,
        %and3A_664 = arith.andi %get3A_663, %broadcast_in_dim3A_250 : vector<16xi32>
        %swap3A_665 = arith.constant 96 : index
        %swap3A_666 = tpu.vector_load %arg9[%swap3A_665] {strides = array<i32>} : memref<128xi32, #tpu.memory_space<vmem>>, vector<16xi32>,
        tpu.vector_store %arg9[%swap3A_665], %and3A_664 {strides = array<i32>} : memref<128xi32, #tpu.memory_space<vmem>>, vector<16xi32>,
        %shift_right_logical3A_667 = arith.constant 14 : i32
        %shift_right_logical3A_668 = vector.broadcast %shift_right_logical3A_667 : i32 to vector<16xi32>
        %shift_right_logical3A_669 = arith.shrui %get3A_663, %shift_right_logical3A_668 : vector<16xi32>
        %swap3A_670 = arith.constant 96 : index
        %swap3A_671 = tpu.vector_load %arg13[%swap3A_670] {strides = array<i32>} : memref<128xi32, #tpu.memory_space<vmem>>, vector<16xi32>,
        tpu.vector_store %arg13[%swap3A_670], %shift_right_logical3A_669 {strides = array<i32>} : memref<128xi32, #tpu.memory_space<vmem>>, vector<16xi32>,
        %mul3A_672 = arith.constant 128 : i32
        %mul3A_673 = arith.muli %add3A_573, %mul3A_672 : i32
        %add3A_674 = arith.constant 112 : i32
        %add3A_675 = arith.addi %mul3A_673, %add3A_674 : i32
        %get3A_676 = arith.index_cast %add3A_675 : i32 to index
        %get3A_677 = tpu.vector_load %arg7[%get3A_676] {strides = array<i32>} : memref<10240xi32, #tpu.memory_space<vmem>>, vector<16xi32>,
        %and3A_678 = arith.andi %get3A_677, %broadcast_in_dim3A_250 : vector<16xi32>
        %swap3A_679 = arith.constant 112 : index
        %swap3A_680 = tpu.vector_load %arg9[%swap3A_679] {strides = array<i32>} : memref<128xi32, #tpu.memory_space<vmem>>, vector<16xi32>,
        tpu.vector_store %arg9[%swap3A_679], %and3A_678 {strides = array<i32>} : memref<128xi32, #tpu.memory_space<vmem>>, vector<16xi32>,
        %shift_right_logical3A_681 = arith.constant 14 : i32
        %shift_right_logical3A_682 = vector.broadcast %shift_right_logical3A_681 : i32 to vector<16xi32>
        %shift_right_logical3A_683 = arith.shrui %get3A_677, %shift_right_logical3A_682 : vector<16xi32>
        %swap3A_684 = arith.constant 112 : index
        %swap3A_685 = tpu.vector_load %arg13[%swap3A_684] {strides = array<i32>} : memref<128xi32, #tpu.memory_space<vmem>>, vector<16xi32>,
        tpu.vector_store %arg13[%swap3A_684], %shift_right_logical3A_683 {strides = array<i32>} : memref<128xi32, #tpu.memory_space<vmem>>, vector<16xi32>,
        %dma_start3A_686 = arith.constant 0 : i32
        %dma_start3A_687 = arith.constant 0 : i32
        %dma_start3A_688 = tpu.memref_slice %arg2[%dma_start3A_686, %dma_start3A_687] : memref<10000x128xbf16, #tpu.memory_space<hbm>> -> memref<10000x128xbf16, #tpu.memory_space<hbm>>
        tpu.enqueue_indirect_dma source(%dma_start3A_688 : memref<10000x128xbf16, #tpu.memory_space<hbm>>) target(%arg17 : memref<128x128xbf16, #tpu.memory_space<vmem>>) offsets(%arg9 : memref<128xi32, #tpu.memory_space<vmem>>) semaphore(%arg23 : memref<!tpu.dma_semaphore, #tpu.memory_space<semaphore_mem>>)
      } else {
      }
    }
    %scan3A_419 = arith.constant 20 : i32
    %dma_wait3A_420 = arith.constant 0 : i32
    %dma_wait3A_421 = arith.constant 0 : i32
    %dma_wait3A_422 = tpu.memref_slice %arg21[%dma_wait3A_420, %dma_wait3A_421] : memref<10240x128xbf16, #tpu.memory_space<vmem_shared>> -> memref<10240x128xbf16, #tpu.memory_space<vmem_shared>>
    tpu.wait_indirect_dma semaphore(%arg26 : memref<!tpu.dma_semaphore, #tpu.memory_space<semaphore_mem>>) src(%arg18 : memref<128x128xbf16, #tpu.memory_space<vmem>>) dst(%dma_wait3A_422 : memref<10240x128xbf16, #tpu.memory_space<vmem_shared>>)
    %dma_wait3A_423 = arith.constant 0 : i32
    %dma_wait3A_424 = arith.constant 0 : i32
    %dma_wait3A_425 = tpu.memref_slice %arg21[%dma_wait3A_423, %dma_wait3A_424] : memref<10240x128xbf16, #tpu.memory_space<vmem_shared>> -> memref<10240x128xbf16, #tpu.memory_space<vmem_shared>>
    tpu.wait_indirect_dma semaphore(%arg27 : memref<!tpu.dma_semaphore, #tpu.memory_space<semaphore_mem>>) src(%arg19 : memref<128x128xbf16, #tpu.memory_space<vmem>>) dst(%dma_wait3A_425 : memref<10240x128xbf16, #tpu.memory_space<vmem_shared>>)
    %barrier3A_426 = arith.constant 0 : index
    tpu.barrier barrier_id(%barrier3A_426)
    %mul3A_427 = arith.constant 640 : i32
    %mul3A_428 = arith.muli %arg1, %mul3A_427 : i32
    %mul3A_429 = arith.constant 640 : i32
    %mul3A_430 = arith.muli %arg1, %mul3A_429 : i32
    "tpu.region"() ({
      %run_scoped3A = tpu.sem_alloc : memref<!tpu.dma_semaphore, #tpu.memory_space<semaphore_mem>>
      %dma_start3A_431 = arith.constant 0 : i32
      %dma_start3A_432 = tpu.memref_slice %arg5[%arg0, %mul3A_430, %dma_start3A_431] : memref<2x10240x128xbf16, #tpu.memory_space<hbm>> -> memref<1x640x128xbf16, #tpu.memory_space<hbm>>
      %dma_start3A_433 = tpu.memref_squeeze %dma_start3A_432 : memref<1x640x128xbf16, #tpu.memory_space<hbm>> -> memref<640x128xbf16, #tpu.memory_space<hbm>>
      %dma_start3A_434 = arith.constant 0 : i32
      %dma_start3A_435 = tpu.memref_slice %arg21[%mul3A_428, %dma_start3A_434] : memref<10240x128xbf16, #tpu.memory_space<vmem_shared>> -> memref<640x128xbf16, #tpu.memory_space<vmem_shared>>
      tpu.enqueue_dma source(%dma_start3A_435 : memref<640x128xbf16, #tpu.memory_space<vmem_shared>>) target(%dma_start3A_433 : memref<640x128xbf16, #tpu.memory_space<hbm>>) target_semaphore(%run_scoped3A : memref<!tpu.dma_semaphore, #tpu.memory_space<semaphore_mem>>)
      %dma_wait3A_436 = arith.constant 0 : i32
      %dma_wait3A_437 = tpu.memref_slice %arg5[%arg0, %mul3A_430, %dma_wait3A_436] : memref<2x10240x128xbf16, #tpu.memory_space<hbm>> -> memref<1x640x128xbf16, #tpu.memory_space<hbm>>
      %dma_wait3A_438 = tpu.memref_squeeze %dma_wait3A_437 : memref<1x640x128xbf16, #tpu.memory_space<hbm>> -> memref<640x128xbf16, #tpu.memory_space<hbm>>
      %dma_wait3A_439 = arith.constant 0 : i32
      %dma_wait3A_440 = tpu.memref_slice %arg21[%mul3A_428, %dma_wait3A_439] : memref<10240x128xbf16, #tpu.memory_space<vmem_shared>> -> memref<640x128xbf16, #tpu.memory_space<vmem_shared>>
      tpu.wait_dma2 semaphore(%run_scoped3A : memref<!tpu.dma_semaphore, #tpu.memory_space<semaphore_mem>>) src(%dma_wait3A_440 : memref<640x128xbf16, #tpu.memory_space<vmem_shared>>) dst(%dma_wait3A_438 : memref<640x128xbf16, #tpu.memory_space<hbm>>)
      tpu.yield
    }) : () -> ()
    "tpu.region"() ({
      %run_scoped3A = tpu.sem_alloc : memref<!tpu.dma_semaphore, #tpu.memory_space<semaphore_mem>>
      %dma_start3A_431 = arith.constant 0 : i32
      %dma_start3A_432 = tpu.memref_slice %arg6[%add3A, %dma_start3A_431] : memref<32x10240xf32, #tpu.memory_space<hbm>> -> memref<1x10240xf32, #tpu.memory_space<hbm>>
      %dma_start3A_433 = tpu.memref_squeeze %dma_start3A_432 : memref<1x10240xf32, #tpu.memory_space<hbm>> -> memref<10240xf32, #tpu.memory_space<hbm>>
      %dma_start3A_434 = arith.constant 0 : i32
      %dma_start3A_435 = tpu.memref_slice %arg6[%add3A, %dma_start3A_434] : memref<32x10240xf32, #tpu.memory_space<hbm>> -> memref<1x10240xf32, #tpu.memory_space<hbm>>
      %dma_start3A_436 = tpu.memref_squeeze %dma_start3A_435 : memref<1x10240xf32, #tpu.memory_space<hbm>> -> memref<10240xf32, #tpu.memory_space<hbm>>
      tpu.enqueue_dma source(%arg20 : memref<10240xf32, #tpu.memory_space<vmem>>) target(%dma_start3A_436 : memref<10240xf32, #tpu.memory_space<hbm>>) target_semaphore(%run_scoped3A : memref<!tpu.dma_semaphore, #tpu.memory_space<semaphore_mem>>)
      %dma_wait3A_437 = arith.constant 0 : i32
      %dma_wait3A_438 = tpu.memref_slice %arg6[%add3A, %dma_wait3A_437] : memref<32x10240xf32, #tpu.memory_space<hbm>> -> memref<1x10240xf32, #tpu.memory_space<hbm>>
      %dma_wait3A_439 = tpu.memref_squeeze %dma_wait3A_438 : memref<1x10240xf32, #tpu.memory_space<hbm>> -> memref<10240xf32, #tpu.memory_space<hbm>>
      %dma_wait3A_440 = arith.constant 0 : i32
      %dma_wait3A_441 = tpu.memref_slice %arg6[%add3A, %dma_wait3A_440] : memref<32x10240xf32, #tpu.memory_space<hbm>> -> memref<1x10240xf32, #tpu.memory_space<hbm>>
      %dma_wait3A_442 = tpu.memref_squeeze %dma_wait3A_441 : memref<1x10240xf32, #tpu.memory_space<hbm>> -> memref<10240xf32, #tpu.memory_space<hbm>>
      tpu.wait_dma2 semaphore(%run_scoped3A : memref<!tpu.dma_semaphore, #tpu.memory_space<semaphore_mem>>) src(%arg20 : memref<10240xf32, #tpu.memory_space<vmem>>) dst(%dma_wait3A_442 : memref<10240xf32, #tpu.memory_space<hbm>>)
      tpu.yield
    }) : () -> ()
    return
  }
}

module attributes {stable_mosaic.version = 14 : i64} {
  func.func @_tc_body(%arg0: i32, %arg1: memref<2x1024x128xbf16, #tpu.memory_space<vmem>>, %arg2: memref<32x1024xf32, #tpu.memory_space<vmem>>, %arg3: memref<1024x128xf32, #tpu.memory_space<vmem>>, %arg4: memref<128x128xf32, #tpu.memory_space<vmem>>, %arg5: memref<128x128xf32, #tpu.memory_space<vmem>>, %arg6: memref<1x128xf32, #tpu.memory_space<vmem>>, %arg7: memref<1x128xf32, #tpu.memory_space<vmem>>, %arg8: memref<1x128xf32, #tpu.memory_space<vmem>>, %arg9: memref<1024x128xf32, #tpu.memory_space<vmem>>) attributes {dimension_semantics = [#tpu.dimension_semantics<arbitrary>], iteration_bounds = array<i64: 10>, scalar_prefetch = 0 : i64, scratch_operands = 0 : i64, tpu.core_type = #tpu.core_type<tc>, window_params = [{transform_indices = @transform_0, window_bounds = array<i64: 2, 1024, 128>}, {transform_indices = @transform_1, window_bounds = array<i64: 32, 1024>}, {transform_indices = @transform_2, window_bounds = array<i64: 1024, 128>}, {pipeline_mode = #tpu.pipeline_mode<synchronous>, transform_indices = @transform_3, window_bounds = array<i64: 128, 128>}, {pipeline_mode = #tpu.pipeline_mode<synchronous>, transform_indices = @transform_4, window_bounds = array<i64: 128, 128>}, {pipeline_mode = #tpu.pipeline_mode<synchronous>, transform_indices = @transform_5, window_bounds = array<i64: 1, 128>}, {pipeline_mode = #tpu.pipeline_mode<synchronous>, transform_indices = @transform_6, window_bounds = array<i64: 1, 128>}, {pipeline_mode = #tpu.pipeline_mode<synchronous>, transform_indices = @transform_7, window_bounds = array<i64: 1, 128>}, {transform_indices = @transform_8, window_bounds = array<i64: 1024, 128>}]} {
    %broadcast_in_dim3A = arith.constant 1.000000e+00 : f32
    %broadcast_in_dim3A_0 = vector.broadcast %broadcast_in_dim3A : f32 to vector<32x1xf32>
    %get3A = arith.constant 0 : index
    %get3A_1 = arith.constant 0 : index
    %get3A_2 = vector.load %arg2[%get3A, %get3A_1] : memref<32x1024xf32, #tpu.memory_space<vmem>>, vector<32x1024xf32>
    %dot_general3A = arith.constant dense<0.000000e+00> : vector<1024x1xf32>
    %dot_general3A_3 = tpu.matmul %get3A_2, %broadcast_in_dim3A_0, %dot_general3A {dimension_numbers = #tpu.dot_dimension_numbers<[0], [0], [1], [1], [0, 1, 1, 1], [], []>, transpose_lhs_hint = false} : vector<32x1024xf32>, vector<32x1xf32>, vector<1024x1xf32> -> vector<1024x1xf32>
    %get3A_4 = arith.constant 0 : index
    %get3A_5 = arith.constant 0 : index
    %get3A_6 = arith.constant 0 : index
    %get3A_7 = vector.load %arg1[%get3A_4, %get3A_5, %get3A_6] : memref<2x1024x128xbf16, #tpu.memory_space<vmem>>, vector<1x1024x128xbf16>
    %get3A_8 = vector.shape_cast %get3A_7 : vector<1x1024x128xbf16> to vector<1024x128xbf16>
    %convert_element_type3A = arith.extf %get3A_8 : vector<1024x128xbf16> to vector<1024x128xf32>
    %get3A_9 = arith.constant 1 : index
    %get3A_10 = arith.constant 0 : index
    %get3A_11 = arith.constant 0 : index
    %get3A_12 = vector.load %arg1[%get3A_9, %get3A_10, %get3A_11] : memref<2x1024x128xbf16, #tpu.memory_space<vmem>>, vector<1x1024x128xbf16>
    %get3A_13 = vector.shape_cast %get3A_12 : vector<1x1024x128xbf16> to vector<1024x128xbf16>
    %convert_element_type3A_14 = arith.extf %get3A_13 : vector<1024x128xbf16> to vector<1024x128xf32>
    %add3A = arith.addf %convert_element_type3A, %convert_element_type3A_14 : vector<1024x128xf32>
    %max3A = arith.constant 1.000000e+00 : f32
    %max3A_15 = vector.broadcast %max3A : f32 to vector<1024x1xf32>
    %max3A_16 = arith.maximumf %dot_general3A_3, %max3A_15 : vector<1024x1xf32>
    %div3A = vector.broadcast %max3A_16 : vector<1024x1xf32> to vector<1024x128xf32>
    %div3A_17 = arith.divf %add3A, %div3A : vector<1024x128xf32>
    %get3A_18 = arith.constant 0 : index
    %get3A_19 = arith.constant 0 : index
    %get3A_20 = vector.load %arg4[%get3A_18, %get3A_19] : memref<128x128xf32, #tpu.memory_space<vmem>>, vector<128x128xf32>
    %dot_general3A_21 = arith.constant dense<0.000000e+00> : vector<1024x128xf32>
    %dot_general3A_22 = tpu.matmul %div3A_17, %get3A_20, %dot_general3A_21 {dimension_numbers = #tpu.dot_dimension_numbers<[1], [0], [0], [1], [0, 0, 1, 1], [], []>, transpose_lhs_hint = false} : vector<1024x128xf32>, vector<128x128xf32>, vector<1024x128xf32> -> vector<1024x128xf32>
    %get3A_23 = arith.constant 0 : index
    %get3A_24 = arith.constant 0 : index
    %get3A_25 = vector.load %arg3[%get3A_23, %get3A_24] : memref<1024x128xf32, #tpu.memory_space<vmem>>, vector<1024x128xf32>
    %get3A_26 = arith.constant 0 : index
    %get3A_27 = arith.constant 0 : index
    %get3A_28 = vector.load %arg5[%get3A_26, %get3A_27] : memref<128x128xf32, #tpu.memory_space<vmem>>, vector<128x128xf32>
    %dot_general3A_29 = arith.constant dense<0.000000e+00> : vector<1024x128xf32>
    %dot_general3A_30 = tpu.matmul %get3A_25, %get3A_28, %dot_general3A_29 {dimension_numbers = #tpu.dot_dimension_numbers<[1], [0], [0], [1], [0, 0, 1, 1], [], []>, transpose_lhs_hint = false} : vector<1024x128xf32>, vector<128x128xf32>, vector<1024x128xf32> -> vector<1024x128xf32>
    %add3A_31 = arith.addf %dot_general3A_22, %dot_general3A_30 : vector<1024x128xf32>
    %get3A_32 = arith.constant 0 : index
    %get3A_33 = arith.constant 0 : index
    %get3A_34 = vector.load %arg6[%get3A_32, %get3A_33] : memref<1x128xf32, #tpu.memory_space<vmem>>, vector<1x128xf32>
    %add3A_35 = vector.broadcast %get3A_34 : vector<1x128xf32> to vector<1024x128xf32>
    %add3A_36 = arith.addf %add3A_31, %add3A_35 : vector<1024x128xf32>
    %reduce_sum3A = arith.constant dense<0.000000e+00> : vector<1024xf32>
    %reduce_sum3A_37 = vector.multi_reduction <add>, %add3A_36, %reduce_sum3A [1] : vector<1024x128xf32> to vector<1024xf32>
    %broadcast_in_dim3A_38 = vector.shape_cast %reduce_sum3A_37 : vector<1024xf32> to vector<1024x1xf32>
    %div3A_39 = arith.constant 1.280000e+02 : f32
    %div3A_40 = vector.broadcast %div3A_39 : f32 to vector<1024x1xf32>
    %div3A_41 = arith.divf %broadcast_in_dim3A_38, %div3A_40 : vector<1024x1xf32>
    %sub3A = vector.broadcast %div3A_41 : vector<1024x1xf32> to vector<1024x128xf32>
    %sub3A_42 = arith.subf %add3A_36, %sub3A : vector<1024x128xf32>
    %mul3A = arith.mulf %sub3A_42, %sub3A_42 : vector<1024x128xf32>
    %reduce_sum3A_43 = arith.constant dense<0.000000e+00> : vector<1024xf32>
    %reduce_sum3A_44 = vector.multi_reduction <add>, %mul3A, %reduce_sum3A_43 [1] : vector<1024x128xf32> to vector<1024xf32>
    %broadcast_in_dim3A_45 = vector.shape_cast %reduce_sum3A_44 : vector<1024xf32> to vector<1024x1xf32>
    %div3A_46 = arith.constant 1.280000e+02 : f32
    %div3A_47 = vector.broadcast %div3A_46 : f32 to vector<1024x1xf32>
    %div3A_48 = arith.divf %broadcast_in_dim3A_45, %div3A_47 : vector<1024x1xf32>
    %add3A_49 = arith.constant 9.99999974E-6 : f32
    %add3A_50 = vector.broadcast %add3A_49 : f32 to vector<1024x1xf32>
    %add3A_51 = arith.addf %div3A_48, %add3A_50 : vector<1024x1xf32>
    %rsqrt3A = math.rsqrt %add3A_51 : vector<1024x1xf32>
    %mul3A_52 = vector.broadcast %rsqrt3A : vector<1024x1xf32> to vector<1024x128xf32>
    %mul3A_53 = arith.mulf %sub3A_42, %mul3A_52 : vector<1024x128xf32>
    %get3A_54 = arith.constant 0 : index
    %get3A_55 = arith.constant 0 : index
    %get3A_56 = vector.load %arg7[%get3A_54, %get3A_55] : memref<1x128xf32, #tpu.memory_space<vmem>>, vector<1x128xf32>
    %mul3A_57 = vector.broadcast %get3A_56 : vector<1x128xf32> to vector<1024x128xf32>
    %mul3A_58 = arith.mulf %mul3A_53, %mul3A_57 : vector<1024x128xf32>
    %get3A_59 = arith.constant 0 : index
    %get3A_60 = arith.constant 0 : index
    %get3A_61 = vector.load %arg8[%get3A_59, %get3A_60] : memref<1x128xf32, #tpu.memory_space<vmem>>, vector<1x128xf32>
    %add3A_62 = vector.broadcast %get3A_61 : vector<1x128xf32> to vector<1024x128xf32>
    %add3A_63 = arith.addf %mul3A_58, %add3A_62 : vector<1024x128xf32>
    %mul3A_64 = arith.constant 5.000000e-01 : f32
    %mul3A_65 = vector.broadcast %mul3A_64 : f32 to vector<1024x128xf32>
    %mul3A_66 = arith.mulf %mul3A_65, %add3A_63 : vector<1024x128xf32>
    %mul3A_67 = arith.constant 0.707106769 : f32
    %mul3A_68 = vector.broadcast %mul3A_67 : f32 to vector<1024x128xf32>
    %mul3A_69 = arith.mulf %add3A_63, %mul3A_68 : vector<1024x128xf32>
    %erf3A = math.erf %mul3A_69 : vector<1024x128xf32>
    %add3A_70 = arith.constant 1.000000e+00 : f32
    %add3A_71 = vector.broadcast %add3A_70 : f32 to vector<1024x128xf32>
    %add3A_72 = arith.addf %add3A_71, %erf3A : vector<1024x128xf32>
    %mul3A_73 = arith.mulf %mul3A_66, %add3A_72 : vector<1024x128xf32>
    %swap3A = arith.constant 0 : index
    %swap3A_74 = arith.constant 0 : index
    %swap3A_75 = vector.load %arg9[%swap3A, %swap3A_74] : memref<1024x128xf32, #tpu.memory_space<vmem>>, vector<1024x128xf32>
    tpu.vector_store %arg9[%swap3A, %swap3A_74], %mul3A_73 {strides = array<i32>} : memref<1024x128xf32, #tpu.memory_space<vmem>>, vector<1024x128xf32>,
    return
  }
  func.func @transform_0(%arg0: i32) -> (i32, i32, i32) {
    %c0_i32 = arith.constant 0 : i32
    %c0_i32_0 = arith.constant 0 : i32
    %c0_i32_1 = arith.constant 0 : i32
    return %c0_i32, %arg0, %c0_i32_0 : i32, i32, i32
  }
  func.func @transform_1(%arg0: i32) -> (i32, i32) {
    %c0_i32 = arith.constant 0 : i32
    %c0_i32_0 = arith.constant 0 : i32
    return %c0_i32, %arg0 : i32, i32
  }
  func.func @transform_2(%arg0: i32) -> (i32, i32) {
    %c0_i32 = arith.constant 0 : i32
    %c0_i32_0 = arith.constant 0 : i32
    return %arg0, %c0_i32 : i32, i32
  }
  func.func @transform_3(%arg0: i32) -> (i32, i32) {
    %c0_i32 = arith.constant 0 : i32
    %c0_i32_0 = arith.constant 0 : i32
    %c0_i32_1 = arith.constant 0 : i32
    return %c0_i32, %c0_i32_0 : i32, i32
  }
  func.func @transform_4(%arg0: i32) -> (i32, i32) {
    %c0_i32 = arith.constant 0 : i32
    %c0_i32_0 = arith.constant 0 : i32
    %c0_i32_1 = arith.constant 0 : i32
    return %c0_i32, %c0_i32_0 : i32, i32
  }
  func.func @transform_5(%arg0: i32) -> (i32, i32) {
    %c0_i32 = arith.constant 0 : i32
    %c0_i32_0 = arith.constant 0 : i32
    %c0_i32_1 = arith.constant 0 : i32
    return %c0_i32, %c0_i32_0 : i32, i32
  }
  func.func @transform_6(%arg0: i32) -> (i32, i32) {
    %c0_i32 = arith.constant 0 : i32
    %c0_i32_0 = arith.constant 0 : i32
    %c0_i32_1 = arith.constant 0 : i32
    return %c0_i32, %c0_i32_0 : i32, i32
  }
  func.func @transform_7(%arg0: i32) -> (i32, i32) {
    %c0_i32 = arith.constant 0 : i32
    %c0_i32_0 = arith.constant 0 : i32
    %c0_i32_1 = arith.constant 0 : i32
    return %c0_i32, %c0_i32_0 : i32, i32
  }
  func.func @transform_8(%arg0: i32) -> (i32, i32) {
    %c0_i32 = arith.constant 0 : i32
    %c0_i32_0 = arith.constant 0 : i32
    return %arg0, %c0_i32 : i32, i32
  }
}

</mosaic_0001>

<sc_bundles>
// kernel: kernel.4.cloned.1.call-start
scs
__scs_entry_jumppad:
0x0: {  	(pc) =	sbr.rel $0x88, $3  }
0x1: {  	(tag) =	ssettag $0x0;
	lr =	simm.s32 $0x1  }
0x2: {  	[smem:$0x3F9A] =	sst lr;
	_ =	strace $0xD0000000  }
0x3: {  	_ = 	snop  }
0x4: {  	_ = 	snop  }
0x5: {  	_ = 	snop  }
0x6: {  	_ = 	snop  }
0x7: {  	_ = 	snop  }
__scs_overlays_trampoline_lowered:
0x8: {  	[smem:$0x3FA9] =	sst s0  }
0x9: {  	[smem:$0x3FAA] =	sst s1  }
0xa: {  	[smem:$0x3FAB] =	sst s2  }
0xb: {  	[smem:$0x3FAC] =	sst s3  }
0xc: {  	[smem:$0x3FAD] =	sst s4  }
0xd: {  	[smem:$0x3FAE] =	sst s5  }
0xe: {  	[smem:$0x3FAF] =	sst s6  }
0xf: {  	[smem:$0x3FB0] =	sst s7  }
0x10: {  	[smem:$0x3FB1] =	sst s8  }
0x11: {  	[smem:$0x3FB2] =	sst s9;
	s0 =	simm.s32 @!p0 $0x0  }
0x12: {  	s1 =	sld [smem:$0x3F98];
	s0 =	simm.s32 @p0 $0x1  }
0x13: {  	[smem:$0x3FB3] =	sst s0;
	s0 =	simm.s32 @!p1 $0x0  }
0x14: {  	s2 =	sld [smem:$0x3F97];
	s0 =	simm.s32 @p1 $0x1  }
0x15: {  	[smem:$0x3FB4] =	sst s0;
	s0 =	simm.s32 @!p2 $0x0  }
0x16: {  	s3 =	sld [smem:$0x3FDB];
	s0 =	simm.s32 @p2 $0x1  }
0x17: {  	s4 =	simm.s32 $0x1BF5;
	[smem:$0x3FB6] =	sst s0  }
0x18: {  	s0 =	sld [smem:$0x3F99];
	_ =	swait.ge [sflag:s4], $0x0  }
0x19: {  	s7 =	sld [smem:$0x3F9A]  }
0x1a: {  	s8 =	sadd.s32 $0xFFFFE003, lr  }
0x1b: {  	s9 =	sadd.s32 $0xFFFFFEF7, lr;
	s5 =	simm.s32 $0xFFFFFFFF;
	p2 =	slt.u32 s8, $0xFFFFF086  }
0x1c: {  	p1 =	slt.u32 s9, $0xF7A;
	s5 =	simm.s32 @!p2 $0x0  }
0x1d: {  	s5 =	simm.s32 @p1 $0x1;
	p0 =	seq.s32 s7, s2  }
0x1e: {  	s7 =	smul.u32 @!p0 $0xF7A, s2;
	p2 =	seq.s32 @!p0 s5, $0x0  }
0x1f: {  	s9 =	smul.u32 $0xF7A, s1;
	s8 =	simm.s32 @!p0 $0x1BF5;
	p2 =	por !p2, p0  }
0x20: {  	[sflag:s8] =	ssyncset.s32 @!p0 $0xFFFFF086;
	s6 =	sadd.s32 @!p0 s3, s7;
	s7 =	simm.s32 @!p0 $0x108  }
0x21: {  	s3 =	sadd.s32 s3, s9;
	s6 =	sadd.s32 @!p0 $0x88, s6;
	s7 =	simm.s32 @p2 $0x1082  }
0x22: {  	[simem:s7], [sflag:s8] =	dma.local @!p0 [hbm:s6], $0xF7A  }
0x23: {  	s9 =	sor.u32 $0xD0000000, s2;
	s6 =	simm.s32 $0x108;
	_ =	swait.ge @!p0 [sflag:s8], $0x0  }
0x24: {  	s3 =	sadd.s32 $0x88, s3;
	s6 =	simm.s32 @!p1 $0x1082;
	[sflag:s4] =	ssyncset.s32 $0xFFFFF086  }
0x25: {  	[simem:s6], [sflag:s4] =	dma.local [hbm:s3], $0xF7A  }
0x26: {  	[smem:$0x3F9A] =	sst s1;
	(tag) =	ssettag s2;
	_ =	strace s9  }
0x27: {  	s1 =	sld [smem:$0x3FAA]  }
0x28: {  	s2 =	sld [smem:$0x3FAB]  }
0x29: {  	s4 =	sld [smem:$0x3FAD]  }
0x2a: {  	p0 =	seq.s32 s5, $0x0;
	s5 =	sld [smem:$0x3FAE]  }
0x2b: {  	s6 =	sld [smem:$0x3FAF]  }
0x2c: {  	s7 =	sld [smem:$0x3FB0]  }
0x2d: {  	s3 =	simm.s32 $0x108;
	s8 =	sld [smem:$0x3FB1]  }
0x2e: {  	s3 =	simm.s32 @!p0 $0x1082;
	s9 =	sld [smem:$0x3FB2]  }
0x2f: {  	lr =	sadd.s32 s0, s3;
	s0 =	sld [smem:$0x3FA9]  }
0x30: {  	s3 =	sld [smem:$0x3FAC]  }
0x31: {  	[smem:$0x3FB5] =	sst s10  }
0x32: {  	s10 =	sld [smem:$0x3FB3];
	_ =	sdelay $0x3  }
0x33: {  	p0 =	seq.s32 s10, $0x1;
	s10 =	sld [smem:$0x3FB5];
	_ =	sdelay $0x3  }
0x34: {  	[smem:$0x3FB5] =	sst s10  }
0x35: {  	s10 =	sld [smem:$0x3FB4];
	_ =	sdelay $0x3  }
0x36: {  	p1 =	seq.s32 s10, $0x1;
	s10 =	sld [smem:$0x3FB5];
	_ =	sdelay $0x3  }
0x37: {  	[smem:$0x3FB5] =	sst s10  }
0x38: {  	s10 =	sld [smem:$0x3FB6]  }
0x39: {  	_ = 	snop;
	(pc) =	sbr.ind lr, $3  }
0x3a: {  	_ = 	snop  }
0x3b: {  	_ = 	snop  }
0x3c: {  	p2 =	seq.s32 s10, $0x1;
	s10 =	sld [smem:$0x3FB5]  }
0x3d: {  	_ =	shalt  }
0x3e: {  	_ =	shalt  }
0x3f: {  	_ =	shalt  }
0x40: {  	_ =	shalt  }
0x41: {  	_ =	shalt  }
0x42: {  	_ =	shalt  }
0x43: {  	_ =	shalt  }
0x44: {  	_ =	shalt  }
0x45: {  	_ =	shalt  }
0x46: {  	_ =	shalt  }
0x47: {  	_ =	shalt  }
0x48: {  	_ =	shalt  }
0x49: {  	_ =	shalt  }
0x4a: {  	_ =	shalt  }
0x4b: {  	_ =	shalt  }
0x4c: {  	_ =	shalt  }
0x4d: {  	_ =	shalt  }
0x4e: {  	_ =	shalt  }
0x4f: {  	_ =	shalt  }
0x50: {  	_ =	shalt  }
0x51: {  	_ =	shalt  }
0x52: {  	_ =	shalt  }
0x53: {  	_ =	shalt  }
0x54: {  	_ =	shalt  }
0x55: {  	_ =	shalt  }
0x56: {  	_ =	shalt  }
0x57: {  	_ =	shalt  }
0x58: {  	_ =	shalt  }
0x59: {  	_ =	shalt  }
0x5a: {  	_ =	shalt  }
0x5b: {  	_ =	shalt  }
0x5c: {  	_ =	shalt  }
0x5d: {  	_ =	shalt  }
0x5e: {  	_ =	shalt  }
0x5f: {  	_ =	shalt  }
0x60: {  	_ =	shalt  }
0x61: {  	_ =	shalt  }
0x62: {  	_ =	shalt  }
0x63: {  	_ =	shalt  }
0x64: {  	_ =	shalt  }
0x65: {  	_ =	shalt  }
0x66: {  	_ =	shalt  }
0x67: {  	_ =	shalt  }
0x68: {  	_ =	shalt  }
0x69: {  	_ =	shalt  }
0x6a: {  	_ =	shalt  }
0x6b: {  	_ =	shalt  }
0x6c: {  	_ =	shalt  }
0x6d: {  	_ =	shalt  }
0x6e: {  	_ =	shalt  }
0x6f: {  	_ =	shalt  }
0x70: {  	_ =	shalt  }
0x71: {  	_ =	shalt  }
0x72: {  	_ =	shalt  }
0x73: {  	_ =	shalt  }
0x74: {  	_ =	shalt  }
0x75: {  	_ =	shalt  }
0x76: {  	_ =	shalt  }
0x77: {  	_ =	shalt  }
0x78: {  	_ =	shalt  }
0x79: {  	_ =	shalt  }
0x7a: {  	_ =	shalt  }
0x7b: {  	_ =	shalt  }
0x7c: {  	_ =	shalt  }
0x7d: {  	_ =	shalt  }
0x7e: {  	_ =	shalt  }
0x7f: {  	_ =	shalt  }
0x80: {  	_ =	shalt  }
0x81: {  	_ =	shalt  }
0x82: {  	_ =	shalt  }
0x83: {  	_ =	shalt  }
0x84: {  	_ =	shalt  }
0x85: {  	_ =	shalt  }
0x86: {  	_ =	shalt  }
0x87: {  	_ =	shalt  }
.Lfunc_end0:
.L_simem_size_0:
called_computation_lowered:
.L_overlay_start_0:
0x88: {  	s2 =	sld [smem:$0x3FD9]  }
0x89: {  	s3 =	sld [smem:$0x3FFE];
	_ =	sdelay $0x1  }
0x8a: {  	s1 =	srdreg.scid  }
0x8b: {  	s0 =	sand.u32 $0x1, s1  }
0x8c: {  	s17 =	sshll.u32 s0, $0xA;
	s2 =	sadd.s32 s3, s2  }
0x8d: {  	s2 =	sadd.s32 s2, s17  }
0x8e: {  	[smem:$0x3FC1] =	sst s2  }
0x8f: {  	_ = 	snop  }
0x90: {  	s2 =	sld [smem:$0x3FD0];
	(tm) =	ssettm $0x1  }
0x91: {  	s18 =	sld [smem:$0x3FFB];
	_ =	sdelay $0x3  }
0x92: {  	_ =	strace s18  }
0x93: {  	s3 =	sld [smem:$0x3FFC];
	_ =	sdelay $0x3  }
0x94: {  	_ =	strace s3  }
0x95: {  	s3 =	sld [smem:$0x3FFD];
	_ =	sdelay $0x3  }
0x96: {  	_ =	strace s3  }
0x97: {  	_ =	strace $0x8FFFFFFF  }
0x98: {  	s19 =	sld [smem:$0x3FDB];
	_ =	sdelay $0x1  }
0x99: {  	s4 =	simm.s32 $_scs_section_size  }
0x9a: {  	s5 =	simm.s32 $_size__tile_overlayer_lowered;
	s6 =	simm.s32 $_tile_overlayer_lowered  }
0x9b: {  	s22 =	simm.s32 $0x1BFF;
	s21 =	sshll.u32 s6, $0x1;
	s3 =	sadd.s32 s4, s19  }
0x9c: {  	s7 =	simm.s32 $0x0;
	s20 =	sshll.u32 s5, $0x1;
	s5 =	sadd.s32 s21, s3  }
0x9d: {  	[timem:s7], [sflag:s22] =	dma.local [hbm:s5], s20  }
0x9e: {  	_ =	swait.ge [sflag:s22], s20  }
0x9f: {  	s4 =	ssub.s32 $0x0, s20;
	[sflag:s22] =	ssyncset.done $0x0  }
0xa0: {  	[sflag:s22] =	ssyncadd.s32 s4;
	_ =	sdelay $0x1  }
0xa1: {  	s23 =	simm.s32 $0x1B8B  }
0xa2: {  	_ =	swait.ge [sflag:s23], $0x1  }
0xa3: {  	[sflag:s23] =	ssyncset.done $0x0  }
0xa4: {  	s25 =	simm.s32 $0x1B8E;
	s24 =	sld [smem:$0x3FFE];
	[sflag:s23] =	ssyncadd.s32 $0xFFFFFFFF  }
0xa5: {  	s26 =	simm.s32 $execute0_lowered;
	[smem:$0x3FD2] =	sst s25  }
0xa6: {  	s5 =	sshll.u32 s26, $0x1;
	_ =	strace $0x80000046;
	[dreg:$0x1] =	wrdreg $0xFFFFFFFF  }
0xa7: {  	s28 =	simm.s32 $_size_execute0_lowered;
	s3 =	sadd.s32 s3, s5;
	[dreg:$0x0] =	wrdreg $0x0  }
0xa8: {  	s5 =	sshll.u32 s28, $0x1;
	[dreg:$0x2] =	wrdreg s3  }
0xa9: {  	[dreg:$0x3] =	wrdreg s5  }
0xaa: {  	[dreg:$0x4] =	wrdreg $0xC0  }
0xab: {  	_ =	task [dreg:s7], $0x5FFFF  }
0xac: {  	[dreg:$0x1] =	wrdreg $0xFFFFFFFF  }
0xad: {  	[dreg:$0x0] =	wrdreg $0x60  }
0xae: {  	[dreg:$0x2] =	wrdreg s2  }
0xaf: {  	[dreg:$0x3] =	wrdreg s24  }
0xb0: {  	[dreg:$0x4] =	wrdreg $0xD4000  }
0xb1: {  	[dreg:$0x5] =	wrdreg $0x9  }
0xb2: {  	_ =	task.clear_ibuf [dreg:s7], $0x6FFFF;
	_ =	strace $0x90000046  }
0xb3: {  	s29 =	simm.s32 $0x9;
	_ =	strace $0x80000048  }
0xb4: {  	_ =	swait.ge [sflag:s29], $0x1  }
0xb5: {  	[sflag:s29] =	ssyncadd.s32 $0xFFFFFFFF  }
0xb6: {  	_ =	strace $0x90000048  }
0xb7: {  	_ =	sfence  }
0xb8: {  	s30 =	sld [smem:$0x0];
	_ =	sdelay $0x2  }
0xb9: {  	s31 =	sshll.u32 s1, $0xD;
	s1 =	sshrl.u32 s1, $0x2  }
0xba: {  	s3 =	sand.u32 $0x4000, s31;
	s1 =	sadd.s32 s1, s30  }
0xbb: {  	s0 =	sor.u32 s3, s0;
	s1 =	sshll.u32 s1, $0x11  }
0xbc: {  	s0 =	sor.u32 s1, s0  }
0xbd: {  	s0 =	sadd.s32 $0x8F2B, s0  }
0xbe: {  	[sflag:s0] =	ssyncadd.remote.s32 $0x1  }
0xbf: {  	_ =	sfence.sel $0xFFFF  }
0xc0: {  	[dreg:$0x0] =	wrdreg $0xFFFFFFFF;
	(pc) =	sbr.abs _section_cstart, $3  }
0xc1: {  	[dreg:$0x1] =	wrdreg $0xFFFFFFFF  }
0xc2: {  	_ =	task.clear_ibuf [dreg:s7], $0x2FFFF;
	_ =	strace $0x9FFFFFFF  }
0xc3: {  	(tm) =	ssettm $0x7FFFFFFF  }
tec
execute0_lowered:
.L_overlay_start_1:
0x0: {  	(tag) =	ssettag $0x1  }
0x1: {  	s2 =	rddreg [dreg:$0x0]  }
0x2: {  	s0 =	srdreg.scid;
	s4 =	rddreg [dreg:$0x1]  }
0x3: {  	s10 =	stileid.u32;
	s3 =	rddreg [dreg:$0x2];
	s8 =	simm.s32 $0x0  }
0x4: {  	s14 =	simm.s32 $0x80;
	s28 =	simm.s32 $0x3;
	s31 =	simm.s32 $0x4  }
0x5: {  	s0 =	sand.u32 $0x1, s0;
	s7 =	smul.u32 $0x14000, s10;
	[smem:$0x7FF] =	sst s8  }
0x6: {  	s9 =	sadd.s32 $0xB800, s4;
	s20 =	sshll.u32 s10, $0x6;
	s1 =	sshll.u32 s0, $0x4  }
0x7: {  	s6 =	smul.u32 $0x140000, s0;
	_ =	strace $0x80000047;
	s1 =	sor.u32 s10, s1  }
0x8: {  	s0 =	ssub.s32 $0x2, s0;
	[dreg:$0x4] =	wrdreg s9;
	s5 =	smul.u32 $0x4E2, s1  }
0x9: {  	s18 =	sshrl.u32 s0, $0x1;
	s19 =	sshrl.u32 s7, $0x1;
	s16 =	smul.u32 $0x500, s1  }
0xa: {  	s6 =	sadd.s32 s7, s6;
	s0 =	ssub.s32 s0, s18;
	s1 =	smul.u32 $0xF0, s1  }
0xb: {  	s7 =	sor.u32 $0x1C07, s20;
	s18 =	simm.s32 $0x4C00;
	s20 =	simm.s32 $0x2A00  }
0xc: {  	s6 =	sshrl.u32 s6, $0x4;
	s10 =	smax.u32 s0, $0x1;
	s0 =	simm.s32 $0x2B80  }
0xd: {  	v0 =	vlaneseq.u32;
	s5 =	sadd.s32 s5, s4;
	s17 =	sadd.s32 s6, s4;
	s4 =	sadd.s32 s16, s4  }
0xe: {  	v14 =	vmul.u32 $0x4001, v0;
	s21 =	sadd.s32 $0x10, s1;
	s24 =	sadd.s32 $0x20, s1;
	s11 =	sadd.s32 $0x30, s1  }
0xf: {  	s12 =	sadd.s32 $0x40, s1;
	s13 =	sadd.s32 $0x50, s1;
	s15 =	sadd.s32 $0x60, s1  }
0x10: {  	v1 =	vor.u32 $0x9C80000, v14;
	v2 =	vor.u32 $0x9CC0000, v14;
	v4 =	vor.u32 $0x9D40000, v14;
	s16 =	sadd.s32 $0x70, s1;
	s22 =	sadd.s32 $0x90, s1;
	s23 =	sadd.s32 $0xA0, s1  }
0x11: {  	v5 =	vor.u32 $0x9D80000, v14;
	v7 =	vor.u32 $0x9E00000, v14;
	v9 =	vor.u32 $0x9E80000, v14;
	s25 =	sadd.s32 $0xB0, s1;
	s29 =	sadd.s32 $0xC0, s1;
	s30 =	sadd.s32 $0xD0, s1  }
0x12: {  	v10 =	vor.u32 $0x9EC0000, v14;
	v11 =	vor.u32 $0x9F00000, v14;
	v12 =	vor.u32 $0x9F40000, v14;
	s5 =	sadd.s32 $0x1A00, s5;
	s26 =	sadd.s32 $0xCC00, s17;
	s4 =	sadd.s32 $0x34C00, s4  }
0x13: {  	v4 =	vor.u32 s12, v4;
	s12 =	simm.s32 $0x7;
	v5 =	vor.u32 s13, v5;
	s13 =	simm.s32 $0x1;
	v7 =	vor.u32 s16, v7;
	s16 =	simm.s32 $0x2C00  }
0x14: {  	v13 =	vor.u32 $0x9F80000, v14;
	v1 =	vor.u32 s21, v1;
	s17 =	simm.s32 $0x2880;
	s21 =	simm.s32 $0x2900;
	v9 =	vor.u32 s22, v9;
	s22 =	simm.s32 $0x6C00  }
0x15: {  	v2 =	vor.u32 s24, v2;
	v10 =	vor.u32 s23, v10;
	s23 =	simm.s32 $0x2;
	s24 =	simm.s32 $0x2A80;
	v11 =	vor.u32 s25, v11;
	s25 =	simm.s32 $0x2980  }
.Ltmp0:
0x16: {  	v6 =	vor.u32 $0x9DC0000, v14;
	v12 =	vor.u32 s29, v12;
	v13 =	vor.u32 s30, v13;
	s29 =	simm.s32 $0x5;
	s30 =	simm.s32 $0x2B00;
	(pc) =	sbr.rel .LBB2_1-.Ltmp0, $4  }
0x17: {  	v0 =	vor.u32 $0x9C40000, v14;
	v6 =	vor.u32 s15, v6;
	s15 =	simm.s32 $0x0;
	[dreg:$0x5] =	wrdreg s5;
	s5 =	sadd.s32 s19, s3  }
0x18: {  	v15 =	vimm.f32 $0.0e+00;
	v16 =	vimm.f32 $1.000000000e+00;
	v0 =	vor.u32 s1, v0;
	s19 =	sadd.s32 $0x80, s1;
	s1 =	sadd.s32 $0xE0, s1;
	[dreg:$0x6] =	wrdreg s26  }
0x19: {  	v3 =	vor.u32 $0x9D00000, v14;
	v8 =	vor.u32 $0x9E40000, v14;
	v14 =	vor.u32 $0x9FC0000, v14;
	[dreg:$0x7] =	wrdreg s4;
	s4 =	simm.s32 $0x0;
	s26 =	simm.s32 $0x8C00  }
0x1a: {  	v3 =	vor.u32 s11, v3;
	s11 =	sshrl.u32 s5, $0x3;
	v8 =	vor.u32 s19, v8;
	s19 =	simm.s32 $0xAC00;
	v14 =	vor.u32 s1, v14;
	s1 =	simm.s32 $0x6  }
.LBB2_6:
0x1b: {  	_ =	swait.ge [sflag:s29], $0x2000  }
0x1c: {  	[sflag:s29] =	ssyncset.done $0x0  }
0x1d: {  	[sflag:s29] =	ssyncadd.s32 $0xFFFFE000  }
0x1e: {  	_ =	swait.ge [sflag:s1], $0x2000  }
0x1f: {  	[sflag:s1] =	ssyncset.done $0x0  }
0x20: {  	[sflag:s1] =	ssyncadd.s32 $0xFFFFE000  }
0x21: {  	[bflag:$0x0] =	sbarrier.arrive $0xFFFF  }
0x22: {  	s4 =	rddreg [dreg:$0x6]  }
0x23: {  	[hbm:s4], [sflag:s7] =	dma.local [spmem:s11], $0x1400  }
0x24: {  	s15 =	sadd.s32 $0x1, s15;
	_ =	swait.ge [sflag:s12], $0x1400  }
0x25: {  	p0 =	sne.s32 s15, s10;
	s4 =	simm.s32 $0x0;
	[sflag:s12] =	ssyncset.done $0x0  }
.Ltmp1:
0x26: {  	s5 =	rddreg [dreg:$0x7];
	[sflag:s12] =	ssyncadd.s32 $0xFFFFEC00;
	(pc) =	sbr.rel @!p0 .LBB2_7-.Ltmp1, $4  }
0x27: {  	[hbm4b:s5+s4] =	stream.linear.scatter [tilespmem:s19], [sflag:$0x7], $0x2800, $0x38;
	[tilespmem:$0x17400] =	vst v63  }
0x28: {  	_ =	swait.ge [sflag:s12], $0x2800  }
0x29: {  	[sflag:s12] =	ssyncset.done $0x0  }
0x2a: {  	[sflag:s12] =	ssyncadd.s32 $0xFFFFD800  }
.LBB2_1:
0x2b: {  	s5 =	rddreg [dreg:$0x5]  }
0x2c: {  	s9 =	rddreg [dreg:$0x4]  }
0x2d: {  	[tilespmem:s4], [sflag:$0x1] =	stream.linear.gather [hbm4b:s5+s4], $0x2710, $0x38;
	[tilespmem:$0x17400] =	vst v63  }
0x2e: {  	[spmem:s11], [sflag:s7] =	dma.local [hbm:s9], $0x1400  }
0x2f: {  	_ =	swait.ge [sflag:s12], $0x1400  }
0x30: {  	[sflag:s12] =	ssyncset.done $0x0  }
0x31: {  	[sflag:s12] =	ssyncadd.s32 $0xFFFFEC00  }
0x32: {  	[tilespmem:$0x2710] =	vst v0  }
0x33: {  	[tilespmem:$0x2720] =	vst v1  }
0x34: {  	[tilespmem:$0x2730] =	vst v2  }
0x35: {  	[tilespmem:$0x2740] =	vst v3  }
0x36: {  	[tilespmem:$0x2750] =	vst v4  }
0x37: {  	[tilespmem:$0x2760] =	vst v5  }
0x38: {  	[tilespmem:$0x2770] =	vst v6  }
0x39: {  	[tilespmem:$0x2780] =	vst v7  }
0x3a: {  	[tilespmem:$0x2790] =	vst v8  }
0x3b: {  	[tilespmem:$0x27A0] =	vst v9  }
0x3c: {  	[tilespmem:$0x27B0] =	vst v10  }
0x3d: {  	[tilespmem:$0x27C0] =	vst v11  }
0x3e: {  	[tilespmem:$0x27D0] =	vst v12  }
0x3f: {  	[tilespmem:$0x27E0] =	vst v13  }
0x40: {  	s4 =	simm.s32 $0x40;
	s5 =	simm.s32 $0x0;
	[tilespmem:$0x27F0] =	vst v14  }
.LBB2_2:
0x41: {  	p0 =	sne.s32 s4, $0x9FC0;
	[tilespmem:s5+$0xAC00] =	vst v15;
	s5 =	smov.u32 s4;
	s4 =	sadd.s32 $0x40, s4  }
.Ltmp2:
0x42: {  	(pc) =	sbr.rel @p0 .LBB2_2-.Ltmp2, $2  }
0x43: {  	_ =	sdelay $0x2  }
0x44: {  	s5 =	sshra.s32 s5, $0x2  }
0x45: {  	[tilespmem:s5+$0xAC00] =	vst v15  }
0x46: {  	_ =	swait.ge [sflag:s13], $0x2710  }
0x47: {  	[sflag:s13] =	ssyncset.done $0x0  }
0x48: {  	[sflag:s13] =	ssyncadd.s32 $0xFFFFD8F0  }
0x49: {  	[bflag:$0x0] =	sbarrier.arrive $0xFFFF  }
0x4a: {  	v17 =	vld [tilespmem:$0x0];
	_ =	sdelay $0x1  }
0x4b: {  	v18 =	vld [tilespmem:$0x10];
	_ =	sdelay $0x1  }
0x4c: {  	v19 =	vld [tilespmem:$0x20]  }
0x4d: {  	v20 =	vand.u32 $0x3FFF, v17  }
0x4e: {  	v59 =	vld [tilespmem:$0x30];
	v17 =	vshrl.u32 v17, $0xE;
	[tilespmem:$0x2800] =	vst v20  }
0x4f: {  	[tilespmem:$0x2A00] =	vst v17;
	v17 =	vand.u32 $0x3FFF, v18  }
0x50: {  	[tilespmem:$0x2810] =	vst v17;
	v17 =	vshrl.u32 v18, $0xE;
	v18 =	vld [tilespmem:$0x40]  }
0x51: {  	[tilespmem:$0x2A10] =	vst v17;
	v17 =	vand.u32 $0x3FFF, v19  }
0x52: {  	[tilespmem:$0x2820] =	vst v17;
	v17 =	vshrl.u32 v19, $0xE;
	v19 =	vld [tilespmem:$0x50]  }
0x53: {  	[tilespmem:$0x2A20] =	vst v17;
	v17 =	vand.u32 $0x3FFF, v59  }
0x54: {  	v60 =	vld [tilespmem:$0x60];
	[tilespmem:$0x2830] =	vst v17;
	v17 =	vshrl.u32 v59, $0xE  }
0x55: {  	[tilespmem:$0x2A30] =	vst v17;
	v17 =	vand.u32 $0x3FFF, v18  }
0x56: {  	[tilespmem:$0x2840] =	vst v17;
	v17 =	vshrl.u32 v18, $0xE;
	v18 =	vld [tilespmem:$0x70]  }
0x57: {  	[tilespmem:$0x2A40] =	vst v17;
	v17 =	vand.u32 $0x3FFF, v19  }
0x58: {  	[tilespmem:$0x2850] =	vst v17;
	v17 =	vshrl.u32 v19, $0xE  }
0x59: {  	[tilespmem:$0x2A50] =	vst v17;
	v17 =	vand.u32 $0x3FFF, v60  }
0x5a: {  	[tilespmem:$0x2860] =	vst v17;
	v17 =	vshrl.u32 v60, $0xE  }
0x5b: {  	[tilespmem:$0x2A60] =	vst v17;
	v17 =	vand.u32 $0x3FFF, v18  }
0x5c: {  	[tilespmem:$0x2870] =	vst v17;
	v17 =	vshrl.u32 v18, $0xE  }
0x5d: {  	s4 =	simm.s32 $0x2800;
	[tilespmem:$0x2A70] =	vst v17  }
0x5e: {  	[tilespmem:s16], [sflag:$0x1] =	stream.indirect.gather [hbm4b:s2+s14], $0x40, s4, s14, $0xb8;
	[tilespmem:$0x17400] =	vst v63  }
0x5f: {  	v17 =	vld [tilespmem:$0x80];
	_ =	sdelay $0x1  }
0x60: {  	v18 =	vld [tilespmem:$0x90];
	_ =	sdelay $0x1  }
0x61: {  	v19 =	vld [tilespmem:$0xA0]  }
0x62: {  	v61 =	vand.u32 $0x3FFF, v17  }
0x63: {  	v62 =	vld [tilespmem:$0xB0];
	v17 =	vshrl.u32 v17, $0xE;
	[tilespmem:$0x2880] =	vst v61  }
0x64: {  	[tilespmem:$0x2A80] =	vst v17;
	v17 =	vand.u32 $0x3FFF, v18  }
0x65: {  	[tilespmem:$0x2890] =	vst v17;
	v17 =	vshrl.u32 v18, $0xE;
	v18 =	vld [tilespmem:$0xC0]  }
0x66: {  	[tilespmem:$0x2A90] =	vst v17;
	v17 =	vand.u32 $0x3FFF, v19  }
0x67: {  	[tilespmem:$0x28A0] =	vst v17;
	v17 =	vshrl.u32 v19, $0xE;
	v19 =	vld [tilespmem:$0xD0]  }
0x68: {  	[tilespmem:$0x2AA0] =	vst v17;
	v17 =	vand.u32 $0x3FFF, v62  }
0x69: {  	v63 =	vld [tilespmem:$0xE0];
	[tilespmem:$0x28B0] =	vst v17;
	v17 =	vshrl.u32 v62, $0xE  }
0x6a: {  	[tilespmem:$0x2AB0] =	vst v17;
	v17 =	vand.u32 $0x3FFF, v18  }
0x6b: {  	[tilespmem:$0x28C0] =	vst v17;
	v17 =	vshrl.u32 v18, $0xE;
	v18 =	vld [tilespmem:$0xF0]  }
0x6c: {  	[tilespmem:$0x2AC0] =	vst v17;
	v17 =	vand.u32 $0x3FFF, v19  }
0x6d: {  	[tilespmem:$0x28D0] =	vst v17;
	v17 =	vshrl.u32 v19, $0xE  }
0x6e: {  	[tilespmem:$0x2AD0] =	vst v17;
	v17 =	vand.u32 $0x3FFF, v63  }
0x6f: {  	[tilespmem:$0x28E0] =	vst v17;
	v17 =	vshrl.u32 v63, $0xE  }
0x70: {  	[tilespmem:$0x2AE0] =	vst v17;
	v17 =	vand.u32 $0x3FFF, v18  }
0x71: {  	[tilespmem:$0x28F0] =	vst v17;
	v17 =	vshrl.u32 v18, $0xE  }
0x72: {  	s4 =	simm.s32 $0x0;
	[tilespmem:$0x2AF0] =	vst v17  }
0x73: {  	[tilespmem:s18], [sflag:$0x2] =	stream.indirect.gather [hbm4b:s2+s14], $0x40, s17, s14, $0xb8;
	[tilespmem:$0x17400] =	vst v63  }
.LBB2_4:
0x74: {  	_ =	swait.ge [sflag:s13], $0x2000  }
0x75: {  	[sflag:s13] =	ssyncset.done $0x0  }
0x76: {  	[sflag:s13] =	ssyncadd.s32 $0xFFFFE000  }
0x77: {  	v17 =	vld [tilespmem:$0x2A00];
	_ =	sdelay $0x7  }
0x78: {  	[tilespmem:v17+s19+$0x0] =	vst.idx.add.f32.msk $0xffff, v16  }
0x79: {  	v17 =	vld [tilespmem:$0x2A10];
	_ =	sdelay $0x7  }
0x7a: {  	[tilespmem:v17+s19+$0x0] =	vst.idx.add.f32.msk $0xffff, v16  }
0x7b: {  	v17 =	vld [tilespmem:$0x2A20];
	_ =	sdelay $0x7  }
0x7c: {  	[tilespmem:v17+s19+$0x0] =	vst.idx.add.f32.msk $0xffff, v16  }
0x7d: {  	v17 =	vld [tilespmem:$0x2A30];
	_ =	sdelay $0x7  }
0x7e: {  	[tilespmem:v17+s19+$0x0] =	vst.idx.add.f32.msk $0xffff, v16  }
0x7f: {  	v17 =	vld [tilespmem:$0x2A40];
	_ =	sdelay $0x7  }
0x80: {  	[tilespmem:v17+s19+$0x0] =	vst.idx.add.f32.msk $0xffff, v16  }
0x81: {  	v17 =	vld [tilespmem:$0x2A50];
	_ =	sdelay $0x7  }
0x82: {  	[tilespmem:v17+s19+$0x0] =	vst.idx.add.f32.msk $0xffff, v16  }
0x83: {  	v17 =	vld [tilespmem:$0x2A60];
	_ =	sdelay $0x7  }
0x84: {  	[tilespmem:v17+s19+$0x0] =	vst.idx.add.f32.msk $0xffff, v16  }
0x85: {  	v17 =	vld [tilespmem:$0x2A70];
	_ =	sdelay $0x6  }
0x86: {  	p0 =	seq.s32 s4, $0x0  }
0x87: {  	s5 =	simm.s32 @!p0 $0x5;
	[tilespmem:v17+s19+$0x0] =	vst.idx.add.f32.msk $0xffff, v16  }
0x88: {  	_ =	swait.ge @!p0 [sflag:s5], $0x2000  }
0x89: {  	[sflag:s5] =	ssyncset.done @!p0 $0x0  }
0x8a: {  	[sflag:s5] =	ssyncadd.s32 @!p0 $0xFFFFE000;
	s5 =	sshra.s32 s4, $0x2  }
0x8b: {  	[spmem:s3] =	stream.indirect.scatter.add.bf16 [tilespmem:s16], [sflag:$0x5], $0x40, s20, s14, $0xb8;
	[tilespmem:$0x17400] =	vst v63  }
0x8c: {  	v17 =	vld [tilespmem:s5+$0x100];
	_ =	sdelay $0x4  }
0x8d: {  	v18 =	vand.u32 $0x3FFF, v17  }
0x8e: {  	v17 =	vshrl.u32 v17, $0xE;
	[tilespmem:$0x2900] =	vst v18  }
0x8f: {  	[tilespmem:$0x2B00] =	vst v17  }
0x90: {  	v17 =	vld [tilespmem:s5+$0x110];
	_ =	sdelay $0x4  }
0x91: {  	v18 =	vand.u32 $0x3FFF, v17  }
0x92: {  	v17 =	vshrl.u32 v17, $0xE;
	[tilespmem:$0x2910] =	vst v18  }
0x93: {  	[tilespmem:$0x2B10] =	vst v17  }
0x94: {  	v17 =	vld [tilespmem:s5+$0x120];
	_ =	sdelay $0x4  }
0x95: {  	v18 =	vand.u32 $0x3FFF, v17  }
0x96: {  	v17 =	vshrl.u32 v17, $0xE;
	[tilespmem:$0x2920] =	vst v18  }
0x97: {  	[tilespmem:$0x2B20] =	vst v17  }
0x98: {  	v17 =	vld [tilespmem:s5+$0x130];
	_ =	sdelay $0x4  }
0x99: {  	v18 =	vand.u32 $0x3FFF, v17  }
0x9a: {  	v17 =	vshrl.u32 v17, $0xE;
	[tilespmem:$0x2930] =	vst v18  }
0x9b: {  	[tilespmem:$0x2B30] =	vst v17  }
0x9c: {  	v17 =	vld [tilespmem:s5+$0x140];
	_ =	sdelay $0x4  }
0x9d: {  	v18 =	vand.u32 $0x3FFF, v17  }
0x9e: {  	v17 =	vshrl.u32 v17, $0xE;
	[tilespmem:$0x2940] =	vst v18  }
0x9f: {  	[tilespmem:$0x2B40] =	vst v17  }
0xa0: {  	v17 =	vld [tilespmem:s5+$0x150];
	_ =	sdelay $0x4  }
0xa1: {  	v18 =	vand.u32 $0x3FFF, v17  }
0xa2: {  	v17 =	vshrl.u32 v17, $0xE;
	[tilespmem:$0x2950] =	vst v18  }
0xa3: {  	[tilespmem:$0x2B50] =	vst v17  }
0xa4: {  	v17 =	vld [tilespmem:s5+$0x160];
	_ =	sdelay $0x4  }
0xa5: {  	v18 =	vand.u32 $0x3FFF, v17  }
0xa6: {  	v17 =	vshrl.u32 v17, $0xE;
	[tilespmem:$0x2960] =	vst v18  }
0xa7: {  	[tilespmem:$0x2B60] =	vst v17  }
0xa8: {  	v17 =	vld [tilespmem:s5+$0x170];
	_ =	sdelay $0x4  }
0xa9: {  	v18 =	vand.u32 $0x3FFF, v17  }
0xaa: {  	v17 =	vshrl.u32 v17, $0xE;
	[tilespmem:$0x2970] =	vst v18  }
0xab: {  	[tilespmem:$0x2B70] =	vst v17  }
0xac: {  	[tilespmem:s22], [sflag:$0x3] =	stream.indirect.gather [hbm4b:s2+s14], $0x40, s21, s14, $0xb8;
	[tilespmem:$0x17400] =	vst v63  }
0xad: {  	_ =	swait.ge [sflag:s23], $0x2000  }
0xae: {  	[sflag:s23] =	ssyncset.done $0x0  }
0xaf: {  	[sflag:s23] =	ssyncadd.s32 $0xFFFFE000  }
0xb0: {  	v17 =	vld [tilespmem:$0x2A80];
	_ =	sdelay $0x7  }
0xb1: {  	[tilespmem:v17+s19+$0x0] =	vst.idx.add.f32.msk $0xffff, v16  }
0xb2: {  	v17 =	vld [tilespmem:$0x2A90];
	_ =	sdelay $0x7  }
0xb3: {  	[tilespmem:v17+s19+$0x0] =	vst.idx.add.f32.msk $0xffff, v16  }
0xb4: {  	v17 =	vld [tilespmem:$0x2AA0];
	_ =	sdelay $0x7  }
0xb5: {  	[tilespmem:v17+s19+$0x0] =	vst.idx.add.f32.msk $0xffff, v16  }
0xb6: {  	v17 =	vld [tilespmem:$0x2AB0];
	_ =	sdelay $0x7  }
0xb7: {  	[tilespmem:v17+s19+$0x0] =	vst.idx.add.f32.msk $0xffff, v16  }
0xb8: {  	v17 =	vld [tilespmem:$0x2AC0];
	_ =	sdelay $0x7  }
0xb9: {  	[tilespmem:v17+s19+$0x0] =	vst.idx.add.f32.msk $0xffff, v16  }
0xba: {  	v17 =	vld [tilespmem:$0x2AD0];
	_ =	sdelay $0x7  }
0xbb: {  	[tilespmem:v17+s19+$0x0] =	vst.idx.add.f32.msk $0xffff, v16  }
0xbc: {  	v17 =	vld [tilespmem:$0x2AE0];
	_ =	sdelay $0x7  }
0xbd: {  	[tilespmem:v17+s19+$0x0] =	vst.idx.add.f32.msk $0xffff, v16  }
0xbe: {  	v17 =	vld [tilespmem:$0x2AF0];
	_ =	sdelay $0x7  }
0xbf: {  	s6 =	simm.s32 @!p0 $0x6;
	[tilespmem:v17+s19+$0x0] =	vst.idx.add.f32.msk $0xffff, v16  }
0xc0: {  	_ =	swait.ge @!p0 [sflag:s6], $0x2000  }
0xc1: {  	[sflag:s6] =	ssyncset.done @!p0 $0x0  }
0xc2: {  	[sflag:s6] =	ssyncadd.s32 @!p0 $0xFFFFE000  }
0xc3: {  	[spmem:s3] =	stream.indirect.scatter.add.bf16 [tilespmem:s18], [sflag:$0x6], $0x40, s24, s14, $0xb8;
	[tilespmem:$0x17400] =	vst v63  }
0xc4: {  	v17 =	vld [tilespmem:s5+$0x180];
	_ =	sdelay $0x4  }
0xc5: {  	v18 =	vand.u32 $0x3FFF, v17  }
0xc6: {  	v17 =	vshrl.u32 v17, $0xE;
	[tilespmem:$0x2980] =	vst v18  }
0xc7: {  	[tilespmem:$0x2B80] =	vst v17  }
0xc8: {  	v17 =	vld [tilespmem:s5+$0x190];
	_ =	sdelay $0x4  }
0xc9: {  	v18 =	vand.u32 $0x3FFF, v17  }
0xca: {  	v17 =	vshrl.u32 v17, $0xE;
	[tilespmem:$0x2990] =	vst v18  }
0xcb: {  	[tilespmem:$0x2B90] =	vst v17  }
0xcc: {  	v17 =	vld [tilespmem:s5+$0x1A0];
	_ =	sdelay $0x4  }
0xcd: {  	v18 =	vand.u32 $0x3FFF, v17  }
0xce: {  	v17 =	vshrl.u32 v17, $0xE;
	[tilespmem:$0x29A0] =	vst v18  }
0xcf: {  	[tilespmem:$0x2BA0] =	vst v17  }
0xd0: {  	v17 =	vld [tilespmem:s5+$0x1B0];
	_ =	sdelay $0x4  }
0xd1: {  	v18 =	vand.u32 $0x3FFF, v17  }
0xd2: {  	v17 =	vshrl.u32 v17, $0xE;
	[tilespmem:$0x29B0] =	vst v18  }
0xd3: {  	[tilespmem:$0x2BB0] =	vst v17  }
0xd4: {  	v17 =	vld [tilespmem:s5+$0x1C0];
	_ =	sdelay $0x4  }
0xd5: {  	v18 =	vand.u32 $0x3FFF, v17  }
0xd6: {  	v17 =	vshrl.u32 v17, $0xE;
	[tilespmem:$0x29C0] =	vst v18  }
0xd7: {  	[tilespmem:$0x2BC0] =	vst v17  }
0xd8: {  	v17 =	vld [tilespmem:s5+$0x1D0];
	_ =	sdelay $0x4  }
0xd9: {  	v18 =	vand.u32 $0x3FFF, v17  }
0xda: {  	v17 =	vshrl.u32 v17, $0xE;
	[tilespmem:$0x29D0] =	vst v18  }
0xdb: {  	[tilespmem:$0x2BD0] =	vst v17  }
0xdc: {  	v17 =	vld [tilespmem:s5+$0x1E0];
	_ =	sdelay $0x4  }
0xdd: {  	v18 =	vand.u32 $0x3FFF, v17  }
0xde: {  	v17 =	vshrl.u32 v17, $0xE;
	[tilespmem:$0x29E0] =	vst v18  }
0xdf: {  	[tilespmem:$0x2BE0] =	vst v17  }
0xe0: {  	v17 =	vld [tilespmem:s5+$0x1F0];
	_ =	sdelay $0x4  }
0xe1: {  	v18 =	vand.u32 $0x3FFF, v17  }
0xe2: {  	v17 =	vshrl.u32 v17, $0xE;
	[tilespmem:$0x29F0] =	vst v18  }
0xe3: {  	[tilespmem:$0x2BF0] =	vst v17  }
0xe4: {  	[tilespmem:s26], [sflag:$0x4] =	stream.indirect.gather [hbm4b:s2+s14], $0x40, s25, s14, $0xb8;
	[tilespmem:$0x17400] =	vst v63  }
0xe5: {  	_ =	swait.ge [sflag:s28], $0x2000  }
0xe6: {  	[sflag:s28] =	ssyncset.done $0x0  }
0xe7: {  	[sflag:s28] =	ssyncadd.s32 $0xFFFFE000  }
0xe8: {  	v17 =	vld [tilespmem:$0x2B00];
	_ =	sdelay $0x7  }
0xe9: {  	[tilespmem:v17+s19+$0x0] =	vst.idx.add.f32.msk $0xffff, v16  }
0xea: {  	v17 =	vld [tilespmem:$0x2B10];
	_ =	sdelay $0x7  }
0xeb: {  	[tilespmem:v17+s19+$0x0] =	vst.idx.add.f32.msk $0xffff, v16  }
0xec: {  	v17 =	vld [tilespmem:$0x2B20];
	_ =	sdelay $0x7  }
0xed: {  	[tilespmem:v17+s19+$0x0] =	vst.idx.add.f32.msk $0xffff, v16  }
0xee: {  	v17 =	vld [tilespmem:$0x2B30];
	_ =	sdelay $0x7  }
0xef: {  	[tilespmem:v17+s19+$0x0] =	vst.idx.add.f32.msk $0xffff, v16  }
0xf0: {  	v17 =	vld [tilespmem:$0x2B40];
	_ =	sdelay $0x7  }
0xf1: {  	[tilespmem:v17+s19+$0x0] =	vst.idx.add.f32.msk $0xffff, v16  }
0xf2: {  	v17 =	vld [tilespmem:$0x2B50];
	_ =	sdelay $0x7  }
0xf3: {  	[tilespmem:v17+s19+$0x0] =	vst.idx.add.f32.msk $0xffff, v16  }
0xf4: {  	v17 =	vld [tilespmem:$0x2B60];
	_ =	sdelay $0x7  }
0xf5: {  	[tilespmem:v17+s19+$0x0] =	vst.idx.add.f32.msk $0xffff, v16  }
0xf6: {  	v17 =	vld [tilespmem:$0x2B70];
	_ =	sdelay $0x7  }
0xf7: {  	[tilespmem:v17+s19+$0x0] =	vst.idx.add.f32.msk $0xffff, v16  }
0xf8: {  	_ =	swait.ge [sflag:s29], $0x2000  }
0xf9: {  	p0 =	seq.s32 s4, $0x9800;
	[sflag:s29] =	ssyncset.done $0x0  }
0xfa: {  	s6 =	sshra.s32 @!p0 s4, $0x2;
	[sflag:s29] =	ssyncadd.s32 $0xFFFFE000  }
0xfb: {  	[spmem:s3] =	stream.indirect.scatter.add.bf16 [tilespmem:s22], [sflag:$0x5], $0x40, s30, s14, $0xb8;
	[tilespmem:$0x17400] =	vst v63  }
0xfc: {  	v17 =	vld @!p0 [tilespmem:s6+$0x200];
	_ =	sdelay $0x4  }
0xfd: {  	v18 =	vand.u32 @!p0 $0x3FFF, v17  }
0xfe: {  	v17 =	vshrl.u32 @!p0 v17, $0xE;
	[tilespmem:$0x2800] =	vst @!p0 v18  }
0xff: {  	[tilespmem:$0x2A00] =	vst @!p0 v17  }
0x100: {  	v17 =	vld @!p0 [tilespmem:s6+$0x210];
	_ =	sdelay $0x4  }
0x101: {  	v18 =	vand.u32 @!p0 $0x3FFF, v17  }
0x102: {  	v17 =	vshrl.u32 @!p0 v17, $0xE;
	[tilespmem:$0x2810] =	vst @!p0 v18  }
0x103: {  	[tilespmem:$0x2A10] =	vst @!p0 v17  }
0x104: {  	v17 =	vld @!p0 [tilespmem:s6+$0x220];
	_ =	sdelay $0x4  }
0x105: {  	v18 =	vand.u32 @!p0 $0x3FFF, v17  }
0x106: {  	v17 =	vshrl.u32 @!p0 v17, $0xE;
	[tilespmem:$0x2820] =	vst @!p0 v18  }
0x107: {  	[tilespmem:$0x2A20] =	vst @!p0 v17  }
0x108: {  	v17 =	vld @!p0 [tilespmem:s6+$0x230];
	_ =	sdelay $0x4  }
0x109: {  	v18 =	vand.u32 @!p0 $0x3FFF, v17  }
0x10a: {  	v17 =	vshrl.u32 @!p0 v17, $0xE;
	[tilespmem:$0x2830] =	vst @!p0 v18  }
0x10b: {  	[tilespmem:$0x2A30] =	vst @!p0 v17  }
0x10c: {  	v17 =	vld @!p0 [tilespmem:s6+$0x240];
	_ =	sdelay $0x4  }
0x10d: {  	v18 =	vand.u32 @!p0 $0x3FFF, v17  }
0x10e: {  	v17 =	vshrl.u32 @!p0 v17, $0xE;
	[tilespmem:$0x2840] =	vst @!p0 v18  }
0x10f: {  	[tilespmem:$0x2A40] =	vst @!p0 v17  }
0x110: {  	v17 =	vld @!p0 [tilespmem:s6+$0x250];
	_ =	sdelay $0x4  }
0x111: {  	v18 =	vand.u32 @!p0 $0x3FFF, v17  }
0x112: {  	v17 =	vshrl.u32 @!p0 v17, $0xE;
	[tilespmem:$0x2850] =	vst @!p0 v18  }
0x113: {  	[tilespmem:$0x2A50] =	vst @!p0 v17  }
0x114: {  	v17 =	vld @!p0 [tilespmem:s6+$0x260];
	_ =	sdelay $0x4  }
0x115: {  	v18 =	vand.u32 @!p0 $0x3FFF, v17  }
0x116: {  	v17 =	vshrl.u32 @!p0 v17, $0xE;
	[tilespmem:$0x2860] =	vst @!p0 v18  }
0x117: {  	[tilespmem:$0x2A60] =	vst @!p0 v17  }
0x118: {  	v17 =	vld @!p0 [tilespmem:s6+$0x270];
	_ =	sdelay $0x4  }
0x119: {  	v18 =	vand.u32 @!p0 $0x3FFF, v17  }
0x11a: {  	v17 =	vshrl.u32 @!p0 v17, $0xE;
	[tilespmem:$0x2870] =	vst @!p0 v18  }
0x11b: {  	s8 =	simm.s32 @!p0 $0x2800;
	s9 =	simm.s32 @!p0 $0x2C00;
	s6 =	simm.s32 @!p0 $0x80;
	[tilespmem:$0x2A70] =	vst @!p0 v17  }
0x11c: {  	[tilespmem:s9], [sflag:$0x1] =	stream.indirect.gather @!p0 [hbm4b:s2+s6], $0x40, s8, s6, $0xb8;
	[tilespmem:$0x17400] =	vst v63  }
0x11d: {  	_ =	swait.ge [sflag:s31], $0x2000  }
0x11e: {  	[sflag:s31] =	ssyncset.done $0x0  }
0x11f: {  	[sflag:s31] =	ssyncadd.s32 $0xFFFFE000  }
0x120: {  	v17 =	vld [tilespmem:$0x2B80];
	_ =	sdelay $0x7  }
0x121: {  	[tilespmem:v17+s19+$0x0] =	vst.idx.add.f32.msk $0xffff, v16  }
0x122: {  	v17 =	vld [tilespmem:$0x2B90];
	_ =	sdelay $0x7  }
0x123: {  	[tilespmem:v17+s19+$0x0] =	vst.idx.add.f32.msk $0xffff, v16  }
0x124: {  	v17 =	vld [tilespmem:$0x2BA0];
	_ =	sdelay $0x7  }
0x125: {  	[tilespmem:v17+s19+$0x0] =	vst.idx.add.f32.msk $0xffff, v16  }
0x126: {  	v17 =	vld [tilespmem:$0x2BB0];
	_ =	sdelay $0x7  }
0x127: {  	[tilespmem:v17+s19+$0x0] =	vst.idx.add.f32.msk $0xffff, v16  }
0x128: {  	v17 =	vld [tilespmem:$0x2BC0];
	_ =	sdelay $0x7  }
0x129: {  	[tilespmem:v17+s19+$0x0] =	vst.idx.add.f32.msk $0xffff, v16  }
0x12a: {  	v17 =	vld [tilespmem:$0x2BD0];
	_ =	sdelay $0x7  }
0x12b: {  	[tilespmem:v17+s19+$0x0] =	vst.idx.add.f32.msk $0xffff, v16  }
0x12c: {  	v17 =	vld [tilespmem:$0x2BE0];
	_ =	sdelay $0x7  }
0x12d: {  	[tilespmem:v17+s19+$0x0] =	vst.idx.add.f32.msk $0xffff, v16  }
0x12e: {  	v17 =	vld [tilespmem:$0x2BF0];
	_ =	sdelay $0x7  }
.Ltmp3:
0x12f: {  	[tilespmem:v17+s19+$0x0] =	vst.idx.add.f32.msk $0xffff, v16;
	(pc) =	sbr.rel @p0 .LBB2_6-.Ltmp3, $4  }
0x130: {  	_ =	swait.ge [sflag:s1], $0x2000  }
0x131: {  	[sflag:s1] =	ssyncset.done $0x0  }
0x132: {  	[sflag:s1] =	ssyncadd.s32 $0xFFFFE000  }
0x133: {  	[spmem:s3] =	stream.indirect.scatter.add.bf16 [tilespmem:s26], [sflag:$0x6], $0x40, s0, s14, $0xb8;
	[tilespmem:$0x17400] =	vst v63  }
0x134: {  	v17 =	vld [tilespmem:s5+$0x280];
	_ =	sdelay $0x4  }
0x135: {  	v18 =	vand.u32 $0x3FFF, v17  }
0x136: {  	v17 =	vshrl.u32 v17, $0xE;
	[tilespmem:$0x2880] =	vst v18  }
0x137: {  	[tilespmem:$0x2A80] =	vst v17  }
0x138: {  	v17 =	vld [tilespmem:s5+$0x290];
	_ =	sdelay $0x4  }
0x139: {  	v18 =	vand.u32 $0x3FFF, v17  }
0x13a: {  	v17 =	vshrl.u32 v17, $0xE;
	[tilespmem:$0x2890] =	vst v18  }
0x13b: {  	[tilespmem:$0x2A90] =	vst v17  }
0x13c: {  	v17 =	vld [tilespmem:s5+$0x2A0];
	_ =	sdelay $0x4  }
0x13d: {  	v18 =	vand.u32 $0x3FFF, v17  }
0x13e: {  	v17 =	vshrl.u32 v17, $0xE;
	[tilespmem:$0x28A0] =	vst v18  }
0x13f: {  	[tilespmem:$0x2AA0] =	vst v17  }
0x140: {  	v17 =	vld [tilespmem:s5+$0x2B0];
	_ =	sdelay $0x4  }
0x141: {  	v18 =	vand.u32 $0x3FFF, v17  }
0x142: {  	v17 =	vshrl.u32 v17, $0xE;
	[tilespmem:$0x28B0] =	vst v18  }
0x143: {  	[tilespmem:$0x2AB0] =	vst v17  }
0x144: {  	v17 =	vld [tilespmem:s5+$0x2C0];
	_ =	sdelay $0x4  }
0x145: {  	v18 =	vand.u32 $0x3FFF, v17  }
0x146: {  	v17 =	vshrl.u32 v17, $0xE;
	[tilespmem:$0x28C0] =	vst v18  }
0x147: {  	[tilespmem:$0x2AC0] =	vst v17  }
0x148: {  	v17 =	vld [tilespmem:s5+$0x2D0];
	_ =	sdelay $0x4  }
0x149: {  	v18 =	vand.u32 $0x3FFF, v17  }
0x14a: {  	v17 =	vshrl.u32 v17, $0xE;
	[tilespmem:$0x28D0] =	vst v18  }
0x14b: {  	[tilespmem:$0x2AD0] =	vst v17  }
0x14c: {  	v17 =	vld [tilespmem:s5+$0x2E0];
	_ =	sdelay $0x4  }
0x14d: {  	v18 =	vand.u32 $0x3FFF, v17  }
0x14e: {  	v17 =	vshrl.u32 v17, $0xE;
	[tilespmem:$0x28E0] =	vst v18  }
0x14f: {  	[tilespmem:$0x2AE0] =	vst v17  }
0x150: {  	v17 =	vld [tilespmem:s5+$0x2F0];
	_ =	sdelay $0x3  }
.Ltmp4:
0x151: {  	_ = 	snop;
	(pc) =	sbr.rel .LBB2_4-.Ltmp4, $4  }
0x152: {  	v18 =	vand.u32 $0x3FFF, v17  }
0x153: {  	v17 =	vshrl.u32 v17, $0xE;
	[tilespmem:$0x28F0] =	vst v18  }
0x154: {  	s4 =	sadd.s32 $0x800, s4;
	[tilespmem:$0x2AF0] =	vst v17  }
0x155: {  	[tilespmem:s18], [sflag:$0x2] =	stream.indirect.gather [hbm4b:s2+s14], $0x40, s17, s14, $0xb8;
	[tilespmem:$0x17400] =	vst v63  }
.LBB2_7:
0x156: {  	_ =	sfence.sel $0x180000  }
0x157: {  	[bflag:$0x0] =	sbarrier.arrive $0xFFFF  }
0x158: {  	_ =	strace $0x90000047  }
0x159: {  	s0 =	stileid.u32;
	[bflag:$0x2] =	sbarrier.arrive $0xFFFF  }
0x15a: {  	p0 =	sne.s32 s0, $0x0;
	s0 =	rddreg [dreg:$0x3]  }
0x15b: {  	s0 =	sadd.s32 @!p0 $0x100000, s0  }
0x15c: {  	[sflag:s0] =	ssyncadd.tile.s32 @!p0 $0x1;
	_ =	shalt  }
.Lfunc_end2:
_tile_overlayer_lowered:
.L_overlay_start_2:
0x15d: {  	(tag) =	ssettag $0x2  }
0x15e: {  	s0 =	rddreg [dreg:$0x0];
	s2 =	stileid.u32  }
0x15f: {  	s1 =	rddreg [dreg:$0x1];
	p0 =	sne.s32 s2, $0x0  }
0x160: {  	s3 =	rddreg [dreg:$0x2];
	[bflag:$0x3] =	sbarrier.arrive $0xFFFF;
	s2 =	simm.s32 @!p0 $0x1C07  }
0x161: {  	[timem:s3], [sflag:s2] =	dma.local @!p0 [hbm:s0], s1  }
0x162: {  	s0 =	simm.s32 @!p0 $0x7  }
0x163: {  	_ =	swait.ge @!p0 [sflag:s0], s1  }
0x164: {  	s1 =	ssub.s32 @!p0 $0x0, s1;
	[sflag:s0] =	ssyncset.done @!p0 $0x0  }
0x165: {  	[sflag:s0] =	ssyncadd.s32 @!p0 s1  }
0x166: {  	[bflag:$0x3] =	sbarrier.arrive $0xFFFF  }
0x167: {  	_ =	shalt  }

</sc_bundles>
